<compile_context>
chip_gen: v7x
topology: tpu7x:2x2x1
jax: 0.10.2.dev20260603
libtpu: 0.0.44.dev20260713+nightly
codegen_flags: <defaults>
</compile_context>

<pallas_src>
import functools

import jax
import jax.numpy as jnp
from jax import lax
from jax.experimental import pallas as pl
from jax.experimental.pallas import tpu as pltpu
from jax.experimental.pallas import tpu_sc as plsc

N_CORES = 2
N_SUBCORES = 16
N_WORKERS = N_CORES * N_SUBCORES
EDGE_CHUNK = 184


def _mlp_body(x_ref, w1_ref, b1_ref, w2_ref, b2_ref, logit_ref, conf_ref):
    h = jnp.dot(x_ref[...], w1_ref[...], preferred_element_type=jnp.float32)
    h = jnp.maximum(h + b1_ref[...][None, :], 0.0)
    logits = jnp.dot(h, w2_ref[...], preferred_element_type=jnp.float32)
    logits = logits + b2_ref[...][None, :]
    m = jnp.max(logits, axis=1, keepdims=True)
    conf_ref[...] = 1.0 / jnp.sum(jnp.exp(logits - m), axis=1, keepdims=True)
    logit_ref[...] = logits


def _mlp_logits(x, W1, b1, W2, b2):
    n, d = x.shape
    hidden = W1.shape[1]
    n_proto = W2.shape[1]
    blk = 1000
    return pl.pallas_call(
        _mlp_body,
        grid=(n // blk,),
        in_specs=[
            pl.BlockSpec((blk, d), lambda i: (i, 0)),
            pl.BlockSpec((d, hidden), lambda i: (0, 0)),
            pl.BlockSpec((hidden,), lambda i: (0,)),
            pl.BlockSpec((hidden, n_proto), lambda i: (0, 0)),
            pl.BlockSpec((n_proto,), lambda i: (0,)),
        ],
        out_specs=[
            pl.BlockSpec((blk, n_proto), lambda i: (i, 0)),
            pl.BlockSpec((blk, 1), lambda i: (i, 0)),
        ],
        out_shape=[
            jax.ShapeDtypeStruct((n, n_proto), jnp.float32),
            jax.ShapeDtypeStruct((n, 1), jnp.float32),
        ],
    )(x, W1, b1, W2, b2)


def _sc_segment_sums(logits, sampled, row, col):
    n, width = logits.shape
    s_total = sampled.shape[0]
    per_w = s_total // N_WORKERS
    n_full = per_w // EDGE_CHUNK
    rem = per_w - n_full * EDGE_CHUNK
    sizes = [EDGE_CHUNK] * n_full + ([rem] if rem else [])
    offs = [i * EDGE_CHUNK for i in range(len(sizes))]
    n_chunks = len(sizes)
    step = (n // N_SUBCORES) // 8 * 8
    win = n - (N_SUBCORES - 1) * step
    mesh = plsc.VectorSubcoreMesh(core_axis_name="c", subcore_axis_name="s")

    @functools.partial(
        pl.kernel,
        mesh=mesh,
        out_type=jax.ShapeDtypeStruct((N_CORES, n, width), jnp.float32),
        scratch_types=[
            pltpu.VMEM((per_w,), jnp.int32),
            [pltpu.VMEM((sz,), jnp.int32) for sz in sizes],
            pltpu.VMEM((per_w,), jnp.int32),
            [pltpu.VMEM((EDGE_CHUNK, width), jnp.float32) for _ in range(2)],
            pltpu.VMEM_SHARED((n, width), jnp.float32),
            pltpu.SemaphoreType.DMA,
            [pltpu.SemaphoreType.DMA for _ in range(2)],
            [pltpu.SemaphoreType.DMA for _ in range(2)],
        ],
    )
    def k(logit_hbm, samp_hbm, row_hbm, col_hbm, zero_hbm, out_hbm,
          samp_v, rowi_v, coli_v, rows_v, acc_sh, sem_z, sem_g, sem_s):
        c = lax.axis_index("c")
        s = lax.axis_index("s")
        wid = s * N_CORES + c
        zoff = jnp.minimum(s * step, n - win)
        zero_d = pltpu.async_copy(zero_hbm, acc_sh.at[pl.ds(zoff, win)],
                                  sem_z)
        pltpu.sync_copy(samp_hbm.at[pl.ds(wid * per_w, per_w)], samp_v)
        idx_d = [pltpu.async_copy(col_hbm.at[samp_v], coli_v, sem_z)]
        for kk in range(n_chunks):
            sl = samp_v.at[pl.ds(offs[kk], sizes[kk])]
            idx_d.append(pltpu.async_copy(row_hbm.at[sl], rowi_v[kk], sem_z))
        for d in idx_d:
            d.wait()
        zero_d.wait()
        plsc.subcore_barrier()
        def gather(kk, b):
            return pltpu.async_copy(
                logit_hbm.at[coli_v.at[pl.ds(offs[kk], sizes[kk])]],
                rows_v[b].at[pl.ds(0, sizes[kk])], sem_g[b])

        gat = [None, None]
        sca = [None, None]
        for kk in range(min(2, n_chunks)):
            gat[kk] = gather(kk, kk)
        for kk in range(n_chunks):
            b = kk % 2
            gat[b].wait()
            sca[b] = pltpu.async_copy(
                rows_v[b].at[pl.ds(0, sizes[kk])], acc_sh.at[rowi_v[kk]],
                sem_s[b], add=True)
            if kk + 2 < n_chunks:
                sca[b].wait()
                sca[b] = None
                gat[b] = gather(kk + 2, b)
        for d in sca:
            if d is not None:
                d.wait()
        plsc.subcore_barrier()
        pltpu.sync_copy(acc_sh.at[pl.ds(zoff, win)],
                        out_hbm.at[c, pl.ds(zoff, win)])

    zero = jnp.zeros((win, width), jnp.float32)
    return k(logits, sampled, row, col, zero)


def _combine_body(part_ref, lab_ref):
    s = part_ref[0] + part_ref[1]
    rowmax = jnp.max(s, axis=1, keepdims=True)
    idx = lax.broadcasted_iota(jnp.int32, s.shape, 1)
    first = jnp.min(jnp.where(s == rowmax, idx, s.shape[1]), axis=1)
    lab_ref[...] = first.astype(jnp.int32)[:, None]


def _combine(part, n):
    blk = 1000
    width = part.shape[2]
    return pl.pallas_call(
        _combine_body,
        grid=(n // blk,),
        in_specs=[pl.BlockSpec((N_CORES, blk, width), lambda i: (0, i, 0))],
        out_specs=pl.BlockSpec((blk, 1), lambda i: (i, 0)),
        out_shape=jax.ShapeDtypeStruct((n, 1), jnp.int32),
    )(part)


def kernel(x, edge_index, W1, b1, W2, b2):
    row, col = edge_index[0], edge_index[1]
    e = row.shape[0]
    if e > 100000:
        sampled = jax.random.randint(
            jax.random.key(42), (e // 5,), 0, e, dtype=jnp.int32)
    else:
        sampled = jnp.arange(e, dtype=jnp.int32)
    logits, conf = _mlp_logits(x, W1, b1, W2, b2)
    part = _sc_segment_sums(logits, sampled, row, col)
    labels = _combine(part, x.shape[0])
    return labels.reshape(-1), conf.reshape(-1)

# --- scband reference (transcript-rebuilt; emitter-appended) ---
"""Pipeline reference for scband-efficient-pseudo-label-75840532513116 (READ-ONLY COPY).

The authoritative reference and input builder live on the scoring server;
editing this copy changes nothing except your own understanding.
"""

import jax, jax.numpy as jnp
import numpy as np

N_NODES = 10000
D_FEAT = 256
N_PROTO = 128
N_EDGES = 160000
HIDDEN = 256


def scatter_mean(src, index, dim_size):
    s = jax.ops.segment_sum(src, index, num_segments=dim_size)
    cnt = jax.ops.segment_sum(jnp.ones((index.shape[0],), dtype=src.dtype), index, num_segments=dim_size)
    return s / jnp.clip(cnt, 1.0, None)[:, None]


def setup_inputs(seed: int = 0) -> dict:
    key = jax.random.key(seed)
    k1, k2, k3, k4 = jax.random.split(key, 4)
    x = jax.random.normal(k1, (N_NODES, D_FEAT), dtype=jnp.float32)
    edge_index = jax.random.randint(k2, (2, N_EDGES), 0, N_NODES, dtype=jnp.int32)
    W1 = jax.random.normal(k3, (D_FEAT, HIDDEN), dtype=jnp.float32) * 0.05
    b1 = jnp.zeros((HIDDEN,), dtype=jnp.float32)
    W2 = jax.random.normal(k4, (HIDDEN, N_PROTO), dtype=jnp.float32) * 0.05
    b2 = jnp.zeros((N_PROTO,), dtype=jnp.float32)
    return {"x": x, "edge_index": edge_index, "W1": W1, "b1": b1, "W2": W2, "b2": b2}


def reference(x, edge_index, W1, b1, W2, b2):
    row, col = edge_index[0], edge_index[1]
    E = row.shape[0]
    if E > 100000:
        sampled = jax.random.randint(jax.random.key(42), (E // 5,), 0, E, dtype=jnp.int32)
        row_s, col_s = row[sampled], col[sampled]
    else:
        row_s, col_s = row, col
    h = jax.nn.relu(x @ W1 + b1)
    proto_logits = h @ W2 + b2
    smooth_proto = scatter_mean(proto_logits[col_s], row_s, x.shape[0])
    pseudo_labels = jnp.argmax(smooth_proto, axis=1)
    confidence = jnp.max(jax.nn.softmax(proto_logits, axis=1), axis=1)
    return (pseudo_labels, confidence)

if __name__ == "__main__":
    import jax
    _d = setup_inputs()
    print(jax.jit(kernel)(*tuple(_d.values())))

</pallas_src>

<mosaic_0001>
#map = affine_map<(d0, d1) -> (0, 0)>
#map1 = affine_map<(d0, d1) -> (0)>
#map2 = affine_map<(d0, d1) -> (0, 0, 0)>
module attributes {stable_mosaic.version = 14 : i64} {
  func.func @k(%arg0: i32, %arg1: i32, %arg2: memref<10000x128xf32, #tpu.memory_space<hbm>>, %arg3: memref<32000xi32, #tpu.memory_space<hbm>>, %arg4: memref<160000xi32, #tpu.memory_space<hbm>>, %arg5: memref<160000xi32, #tpu.memory_space<hbm>>, %arg6: memref<640x128xf32, #tpu.memory_space<hbm>>, %arg7: memref<2x10000x128xf32, #tpu.memory_space<hbm>>, %arg8: memref<1000xi32, #tpu.memory_space<vmem>>, %arg9: memref<184xi32, #tpu.memory_space<vmem>>, %arg10: memref<184xi32, #tpu.memory_space<vmem>>, %arg11: memref<184xi32, #tpu.memory_space<vmem>>, %arg12: memref<184xi32, #tpu.memory_space<vmem>>, %arg13: memref<184xi32, #tpu.memory_space<vmem>>, %arg14: memref<80xi32, #tpu.memory_space<vmem>>, %arg15: memref<1000xi32, #tpu.memory_space<vmem>>, %arg16: memref<184x128xf32, #tpu.memory_space<vmem>>, %arg17: memref<184x128xf32, #tpu.memory_space<vmem>>, %arg18: memref<10000x128xf32, #tpu.memory_space<vmem_shared>>, %arg19: memref<!tpu.dma_semaphore, #tpu.memory_space<semaphore_mem>>, %arg20: memref<!tpu.dma_semaphore, #tpu.memory_space<semaphore_mem>>, %arg21: memref<!tpu.dma_semaphore, #tpu.memory_space<semaphore_mem>>, %arg22: memref<!tpu.dma_semaphore, #tpu.memory_space<semaphore_mem>>, %arg23: memref<!tpu.dma_semaphore, #tpu.memory_space<semaphore_mem>>) attributes {dimension_semantics = [#tpu.dimension_semantics<core_parallel>, #tpu.dimension_semantics<subcore_parallel>], iteration_bounds = array<i64: 2, 16>, scalar_prefetch = 0 : i64, scratch_operands = 16 : i64, tpu.core_type = #tpu.core_type<sc_vector_subcore>, window_params = [{transform_indices = #map}, {transform_indices = #map1}, {transform_indices = #map1}, {transform_indices = #map1}, {transform_indices = #map}, {transform_indices = #map2}]} {
    %mul3A = arith.constant 2 : i32
    %mul3A_0 = arith.muli %arg1, %mul3A : i32
    %add3A = arith.addi %mul3A_0, %arg0 : i32
    %mul3A_1 = arith.constant 624 : i32
    %mul3A_2 = arith.muli %arg1, %mul3A_1 : i32
    %min3A = arith.constant 9360 : i32
    %min3A_3 = arith.minsi %mul3A_2, %min3A : i32
    %dma_start3A = arith.constant 0 : i32
    %dma_start3A_4 = tpu.memref_slice %arg18[%min3A_3, %dma_start3A] : memref<10000x128xf32, #tpu.memory_space<vmem_shared>> -> memref<640x128xf32, #tpu.memory_space<vmem_shared>>
    tpu.enqueue_dma source(%arg6 : memref<640x128xf32, #tpu.memory_space<hbm>>) target(%dma_start3A_4 : memref<640x128xf32, #tpu.memory_space<vmem_shared>>) target_semaphore(%arg19 : memref<!tpu.dma_semaphore, #tpu.memory_space<semaphore_mem>>)
    %mul3A_5 = arith.constant 1000 : i32
    %mul3A_6 = arith.muli %add3A, %mul3A_5 : i32
    "tpu.region"() ({
      %run_scoped3A = tpu.sem_alloc : memref<!tpu.dma_semaphore, #tpu.memory_space<semaphore_mem>>
      %dma_start3A_229 = tpu.memref_slice %arg3[%mul3A_6] : memref<32000xi32, #tpu.memory_space<hbm>> -> memref<1000xi32, #tpu.memory_space<hbm>>
      %dma_start3A_230 = tpu.memref_slice %arg3[%mul3A_6] : memref<32000xi32, #tpu.memory_space<hbm>> -> memref<1000xi32, #tpu.memory_space<hbm>>
      tpu.enqueue_dma source(%dma_start3A_230 : memref<1000xi32, #tpu.memory_space<hbm>>) target(%arg8 : memref<1000xi32, #tpu.memory_space<vmem>>) target_semaphore(%run_scoped3A : memref<!tpu.dma_semaphore, #tpu.memory_space<semaphore_mem>>)
      %dma_wait3A_231 = tpu.memref_slice %arg3[%mul3A_6] : memref<32000xi32, #tpu.memory_space<hbm>> -> memref<1000xi32, #tpu.memory_space<hbm>>
      %dma_wait3A_232 = tpu.memref_slice %arg3[%mul3A_6] : memref<32000xi32, #tpu.memory_space<hbm>> -> memref<1000xi32, #tpu.memory_space<hbm>>
      tpu.wait_dma2 semaphore(%run_scoped3A : memref<!tpu.dma_semaphore, #tpu.memory_space<semaphore_mem>>) src(%dma_wait3A_232 : memref<1000xi32, #tpu.memory_space<hbm>>) dst(%arg8 : memref<1000xi32, #tpu.memory_space<vmem>>)
      tpu.yield
    }) : () -> ()
    %dma_start3A_7 = arith.constant 0 : i32
    %dma_start3A_8 = tpu.memref_slice %arg5[%dma_start3A_7] : memref<160000xi32, #tpu.memory_space<hbm>> -> memref<160000xi32, #tpu.memory_space<hbm>>
    tpu.enqueue_indirect_dma source(%dma_start3A_8 : memref<160000xi32, #tpu.memory_space<hbm>>) target(%arg15 : memref<1000xi32, #tpu.memory_space<vmem>>) offsets(%arg8 : memref<1000xi32, #tpu.memory_space<vmem>>) semaphore(%arg19 : memref<!tpu.dma_semaphore, #tpu.memory_space<semaphore_mem>>)
    %dma_start3A_9 = arith.constant 0 : i32
    %dma_start3A_10 = tpu.memref_slice %arg8[%dma_start3A_9] : memref<1000xi32, #tpu.memory_space<vmem>> -> memref<184xi32, #tpu.memory_space<vmem>>
    %dma_start3A_11 = arith.constant 0 : i32
    %dma_start3A_12 = tpu.memref_slice %arg4[%dma_start3A_11] : memref<160000xi32, #tpu.memory_space<hbm>> -> memref<160000xi32, #tpu.memory_space<hbm>>
    tpu.enqueue_indirect_dma source(%dma_start3A_12 : memref<160000xi32, #tpu.memory_space<hbm>>) target(%arg9 : memref<184xi32, #tpu.memory_space<vmem>>) offsets(%dma_start3A_10 : memref<184xi32, #tpu.memory_space<vmem>>) semaphore(%arg19 : memref<!tpu.dma_semaphore, #tpu.memory_space<semaphore_mem>>)
    %dma_start3A_13 = arith.constant 184 : i32
    %dma_start3A_14 = tpu.memref_slice %arg8[%dma_start3A_13] : memref<1000xi32, #tpu.memory_space<vmem>> -> memref<184xi32, #tpu.memory_space<vmem>>
    %dma_start3A_15 = arith.constant 0 : i32
    %dma_start3A_16 = tpu.memref_slice %arg4[%dma_start3A_15] : memref<160000xi32, #tpu.memory_space<hbm>> -> memref<160000xi32, #tpu.memory_space<hbm>>
    tpu.enqueue_indirect_dma source(%dma_start3A_16 : memref<160000xi32, #tpu.memory_space<hbm>>) target(%arg10 : memref<184xi32, #tpu.memory_space<vmem>>) offsets(%dma_start3A_14 : memref<184xi32, #tpu.memory_space<vmem>>) semaphore(%arg19 : memref<!tpu.dma_semaphore, #tpu.memory_space<semaphore_mem>>)
    %dma_start3A_17 = arith.constant 368 : i32
    %dma_start3A_18 = tpu.memref_slice %arg8[%dma_start3A_17] : memref<1000xi32, #tpu.memory_space<vmem>> -> memref<184xi32, #tpu.memory_space<vmem>>
    %dma_start3A_19 = arith.constant 0 : i32
    %dma_start3A_20 = tpu.memref_slice %arg4[%dma_start3A_19] : memref<160000xi32, #tpu.memory_space<hbm>> -> memref<160000xi32, #tpu.memory_space<hbm>>
    tpu.enqueue_indirect_dma source(%dma_start3A_20 : memref<160000xi32, #tpu.memory_space<hbm>>) target(%arg11 : memref<184xi32, #tpu.memory_space<vmem>>) offsets(%dma_start3A_18 : memref<184xi32, #tpu.memory_space<vmem>>) semaphore(%arg19 : memref<!tpu.dma_semaphore, #tpu.memory_space<semaphore_mem>>)
    %dma_start3A_21 = arith.constant 552 : i32
    %dma_start3A_22 = tpu.memref_slice %arg8[%dma_start3A_21] : memref<1000xi32, #tpu.memory_space<vmem>> -> memref<184xi32, #tpu.memory_space<vmem>>
    %dma_start3A_23 = arith.constant 0 : i32
    %dma_start3A_24 = tpu.memref_slice %arg4[%dma_start3A_23] : memref<160000xi32, #tpu.memory_space<hbm>> -> memref<160000xi32, #tpu.memory_space<hbm>>
    tpu.enqueue_indirect_dma source(%dma_start3A_24 : memref<160000xi32, #tpu.memory_space<hbm>>) target(%arg12 : memref<184xi32, #tpu.memory_space<vmem>>) offsets(%dma_start3A_22 : memref<184xi32, #tpu.memory_space<vmem>>) semaphore(%arg19 : memref<!tpu.dma_semaphore, #tpu.memory_space<semaphore_mem>>)
    %dma_start3A_25 = arith.constant 736 : i32
    %dma_start3A_26 = tpu.memref_slice %arg8[%dma_start3A_25] : memref<1000xi32, #tpu.memory_space<vmem>> -> memref<184xi32, #tpu.memory_space<vmem>>
    %dma_start3A_27 = arith.constant 0 : i32
    %dma_start3A_28 = tpu.memref_slice %arg4[%dma_start3A_27] : memref<160000xi32, #tpu.memory_space<hbm>> -> memref<160000xi32, #tpu.memory_space<hbm>>
    tpu.enqueue_indirect_dma source(%dma_start3A_28 : memref<160000xi32, #tpu.memory_space<hbm>>) target(%arg13 : memref<184xi32, #tpu.memory_space<vmem>>) offsets(%dma_start3A_26 : memref<184xi32, #tpu.memory_space<vmem>>) semaphore(%arg19 : memref<!tpu.dma_semaphore, #tpu.memory_space<semaphore_mem>>)
    %dma_start3A_29 = arith.constant 920 : i32
    %dma_start3A_30 = tpu.memref_slice %arg8[%dma_start3A_29] : memref<1000xi32, #tpu.memory_space<vmem>> -> memref<80xi32, #tpu.memory_space<vmem>>
    %dma_start3A_31 = arith.constant 0 : i32
    %dma_start3A_32 = tpu.memref_slice %arg4[%dma_start3A_31] : memref<160000xi32, #tpu.memory_space<hbm>> -> memref<160000xi32, #tpu.memory_space<hbm>>
    tpu.enqueue_indirect_dma source(%dma_start3A_32 : memref<160000xi32, #tpu.memory_space<hbm>>) target(%arg14 : memref<80xi32, #tpu.memory_space<vmem>>) offsets(%dma_start3A_30 : memref<80xi32, #tpu.memory_space<vmem>>) semaphore(%arg19 : memref<!tpu.dma_semaphore, #tpu.memory_space<semaphore_mem>>)
    %dma_wait3A = arith.constant 0 : i32
    %dma_wait3A_33 = tpu.memref_slice %arg5[%dma_wait3A] : memref<160000xi32, #tpu.memory_space<hbm>> -> memref<160000xi32, #tpu.memory_space<hbm>>
    tpu.wait_indirect_dma semaphore(%arg19 : memref<!tpu.dma_semaphore, #tpu.memory_space<semaphore_mem>>) src(%dma_wait3A_33 : memref<160000xi32, #tpu.memory_space<hbm>>) dst(%arg15 : memref<1000xi32, #tpu.memory_space<vmem>>)
    %dma_wait3A_34 = arith.constant 0 : i32
    %dma_wait3A_35 = tpu.memref_slice %arg8[%dma_wait3A_34] : memref<1000xi32, #tpu.memory_space<vmem>> -> memref<184xi32, #tpu.memory_space<vmem>>
    %dma_wait3A_36 = arith.constant 0 : i32
    %dma_wait3A_37 = tpu.memref_slice %arg4[%dma_wait3A_36] : memref<160000xi32, #tpu.memory_space<hbm>> -> memref<160000xi32, #tpu.memory_space<hbm>>
    tpu.wait_indirect_dma semaphore(%arg19 : memref<!tpu.dma_semaphore, #tpu.memory_space<semaphore_mem>>) src(%dma_wait3A_37 : memref<160000xi32, #tpu.memory_space<hbm>>) dst(%arg9 : memref<184xi32, #tpu.memory_space<vmem>>)
    %dma_wait3A_38 = arith.constant 184 : i32
    %dma_wait3A_39 = tpu.memref_slice %arg8[%dma_wait3A_38] : memref<1000xi32, #tpu.memory_space<vmem>> -> memref<184xi32, #tpu.memory_space<vmem>>
    %dma_wait3A_40 = arith.constant 0 : i32
    %dma_wait3A_41 = tpu.memref_slice %arg4[%dma_wait3A_40] : memref<160000xi32, #tpu.memory_space<hbm>> -> memref<160000xi32, #tpu.memory_space<hbm>>
    tpu.wait_indirect_dma semaphore(%arg19 : memref<!tpu.dma_semaphore, #tpu.memory_space<semaphore_mem>>) src(%dma_wait3A_41 : memref<160000xi32, #tpu.memory_space<hbm>>) dst(%arg10 : memref<184xi32, #tpu.memory_space<vmem>>)
    %dma_wait3A_42 = arith.constant 368 : i32
    %dma_wait3A_43 = tpu.memref_slice %arg8[%dma_wait3A_42] : memref<1000xi32, #tpu.memory_space<vmem>> -> memref<184xi32, #tpu.memory_space<vmem>>
    %dma_wait3A_44 = arith.constant 0 : i32
    %dma_wait3A_45 = tpu.memref_slice %arg4[%dma_wait3A_44] : memref<160000xi32, #tpu.memory_space<hbm>> -> memref<160000xi32, #tpu.memory_space<hbm>>
    tpu.wait_indirect_dma semaphore(%arg19 : memref<!tpu.dma_semaphore, #tpu.memory_space<semaphore_mem>>) src(%dma_wait3A_45 : memref<160000xi32, #tpu.memory_space<hbm>>) dst(%arg11 : memref<184xi32, #tpu.memory_space<vmem>>)
    %dma_wait3A_46 = arith.constant 552 : i32
    %dma_wait3A_47 = tpu.memref_slice %arg8[%dma_wait3A_46] : memref<1000xi32, #tpu.memory_space<vmem>> -> memref<184xi32, #tpu.memory_space<vmem>>
    %dma_wait3A_48 = arith.constant 0 : i32
    %dma_wait3A_49 = tpu.memref_slice %arg4[%dma_wait3A_48] : memref<160000xi32, #tpu.memory_space<hbm>> -> memref<160000xi32, #tpu.memory_space<hbm>>
    tpu.wait_indirect_dma semaphore(%arg19 : memref<!tpu.dma_semaphore, #tpu.memory_space<semaphore_mem>>) src(%dma_wait3A_49 : memref<160000xi32, #tpu.memory_space<hbm>>) dst(%arg12 : memref<184xi32, #tpu.memory_space<vmem>>)
    %dma_wait3A_50 = arith.constant 736 : i32
    %dma_wait3A_51 = tpu.memref_slice %arg8[%dma_wait3A_50] : memref<1000xi32, #tpu.memory_space<vmem>> -> memref<184xi32, #tpu.memory_space<vmem>>
    %dma_wait3A_52 = arith.constant 0 : i32
    %dma_wait3A_53 = tpu.memref_slice %arg4[%dma_wait3A_52] : memref<160000xi32, #tpu.memory_space<hbm>> -> memref<160000xi32, #tpu.memory_space<hbm>>
    tpu.wait_indirect_dma semaphore(%arg19 : memref<!tpu.dma_semaphore, #tpu.memory_space<semaphore_mem>>) src(%dma_wait3A_53 : memref<160000xi32, #tpu.memory_space<hbm>>) dst(%arg13 : memref<184xi32, #tpu.memory_space<vmem>>)
    %dma_wait3A_54 = arith.constant 920 : i32
    %dma_wait3A_55 = tpu.memref_slice %arg8[%dma_wait3A_54] : memref<1000xi32, #tpu.memory_space<vmem>> -> memref<80xi32, #tpu.memory_space<vmem>>
    %dma_wait3A_56 = arith.constant 0 : i32
    %dma_wait3A_57 = tpu.memref_slice %arg4[%dma_wait3A_56] : memref<160000xi32, #tpu.memory_space<hbm>> -> memref<160000xi32, #tpu.memory_space<hbm>>
    tpu.wait_indirect_dma semaphore(%arg19 : memref<!tpu.dma_semaphore, #tpu.memory_space<semaphore_mem>>) src(%dma_wait3A_57 : memref<160000xi32, #tpu.memory_space<hbm>>) dst(%arg14 : memref<80xi32, #tpu.memory_space<vmem>>)
    %dma_wait3A_58 = arith.constant 0 : i32
    %dma_wait3A_59 = tpu.memref_slice %arg18[%min3A_3, %dma_wait3A_58] : memref<10000x128xf32, #tpu.memory_space<vmem_shared>> -> memref<640x128xf32, #tpu.memory_space<vmem_shared>>
    tpu.wait_dma2 semaphore(%arg19 : memref<!tpu.dma_semaphore, #tpu.memory_space<semaphore_mem>>) src(%arg6 : memref<640x128xf32, #tpu.memory_space<hbm>>) dst(%dma_wait3A_59 : memref<640x128xf32, #tpu.memory_space<vmem_shared>>)
    %barrier3A = arith.constant 0 : index
    tpu.barrier barrier_id(%barrier3A)
    %dma_start3A_60 = arith.constant 0 : i32
    %dma_start3A_61 = arith.constant 0 : i32
    %dma_start3A_62 = tpu.memref_slice %arg16[%dma_start3A_60, %dma_start3A_61] : memref<184x128xf32, #tpu.memory_space<vmem>> -> memref<184x128xf32, #tpu.memory_space<vmem>>
    %dma_start3A_63 = arith.constant 0 : i32
    %dma_start3A_64 = tpu.memref_slice %arg15[%dma_start3A_63] : memref<1000xi32, #tpu.memory_space<vmem>> -> memref<184xi32, #tpu.memory_space<vmem>>
    %dma_start3A_65 = arith.constant 0 : i32
    %dma_start3A_66 = arith.constant 0 : i32
    %dma_start3A_67 = tpu.memref_slice %arg2[%dma_start3A_65, %dma_start3A_66] : memref<10000x128xf32, #tpu.memory_space<hbm>> -> memref<10000x128xf32, #tpu.memory_space<hbm>>
    tpu.enqueue_indirect_dma source(%dma_start3A_67 : memref<10000x128xf32, #tpu.memory_space<hbm>>) target(%dma_start3A_62 : memref<184x128xf32, #tpu.memory_space<vmem>>) offsets(%dma_start3A_64 : memref<184xi32, #tpu.memory_space<vmem>>) semaphore(%arg20 : memref<!tpu.dma_semaphore, #tpu.memory_space<semaphore_mem>>)
    %dma_start3A_68 = arith.constant 0 : i32
    %dma_start3A_69 = arith.constant 0 : i32
    %dma_start3A_70 = tpu.memref_slice %arg17[%dma_start3A_68, %dma_start3A_69] : memref<184x128xf32, #tpu.memory_space<vmem>> -> memref<184x128xf32, #tpu.memory_space<vmem>>
    %dma_start3A_71 = arith.constant 184 : i32
    %dma_start3A_72 = tpu.memref_slice %arg15[%dma_start3A_71] : memref<1000xi32, #tpu.memory_space<vmem>> -> memref<184xi32, #tpu.memory_space<vmem>>
    %dma_start3A_73 = arith.constant 0 : i32
    %dma_start3A_74 = arith.constant 0 : i32
    %dma_start3A_75 = tpu.memref_slice %arg2[%dma_start3A_73, %dma_start3A_74] : memref<10000x128xf32, #tpu.memory_space<hbm>> -> memref<10000x128xf32, #tpu.memory_space<hbm>>
    tpu.enqueue_indirect_dma source(%dma_start3A_75 : memref<10000x128xf32, #tpu.memory_space<hbm>>) target(%dma_start3A_70 : memref<184x128xf32, #tpu.memory_space<vmem>>) offsets(%dma_start3A_72 : memref<184xi32, #tpu.memory_space<vmem>>) semaphore(%arg21 : memref<!tpu.dma_semaphore, #tpu.memory_space<semaphore_mem>>)
    %dma_wait3A_76 = arith.constant 0 : i32
    %dma_wait3A_77 = arith.constant 0 : i32
    %dma_wait3A_78 = tpu.memref_slice %arg16[%dma_wait3A_76, %dma_wait3A_77] : memref<184x128xf32, #tpu.memory_space<vmem>> -> memref<184x128xf32, #tpu.memory_space<vmem>>
    %dma_wait3A_79 = arith.constant 0 : i32
    %dma_wait3A_80 = tpu.memref_slice %arg15[%dma_wait3A_79] : memref<1000xi32, #tpu.memory_space<vmem>> -> memref<184xi32, #tpu.memory_space<vmem>>
    %dma_wait3A_81 = arith.constant 0 : i32
    %dma_wait3A_82 = arith.constant 0 : i32
    %dma_wait3A_83 = tpu.memref_slice %arg2[%dma_wait3A_81, %dma_wait3A_82] : memref<10000x128xf32, #tpu.memory_space<hbm>> -> memref<10000x128xf32, #tpu.memory_space<hbm>>
    tpu.wait_indirect_dma semaphore(%arg20 : memref<!tpu.dma_semaphore, #tpu.memory_space<semaphore_mem>>) src(%dma_wait3A_83 : memref<10000x128xf32, #tpu.memory_space<hbm>>) dst(%dma_wait3A_78 : memref<184x128xf32, #tpu.memory_space<vmem>>)
    %dma_start3A_84 = arith.constant 0 : i32
    %dma_start3A_85 = arith.constant 0 : i32
    %dma_start3A_86 = tpu.memref_slice %arg16[%dma_start3A_84, %dma_start3A_85] : memref<184x128xf32, #tpu.memory_space<vmem>> -> memref<184x128xf32, #tpu.memory_space<vmem>>
    %dma_start3A_87 = arith.constant 0 : i32
    %dma_start3A_88 = arith.constant 0 : i32
    %dma_start3A_89 = tpu.memref_slice %arg18[%dma_start3A_87, %dma_start3A_88] : memref<10000x128xf32, #tpu.memory_space<vmem_shared>> -> memref<10000x128xf32, #tpu.memory_space<vmem_shared>>
    tpu.enqueue_indirect_dma source(%dma_start3A_86 : memref<184x128xf32, #tpu.memory_space<vmem>>) target(%dma_start3A_89 : memref<10000x128xf32, #tpu.memory_space<vmem_shared>>) offsets(%arg9 : memref<184xi32, #tpu.memory_space<vmem>>) semaphore(%arg22 : memref<!tpu.dma_semaphore, #tpu.memory_space<semaphore_mem>>) {add = true}
    %dma_wait3A_90 = arith.constant 0 : i32
    %dma_wait3A_91 = arith.constant 0 : i32
    %dma_wait3A_92 = tpu.memref_slice %arg16[%dma_wait3A_90, %dma_wait3A_91] : memref<184x128xf32, #tpu.memory_space<vmem>> -> memref<184x128xf32, #tpu.memory_space<vmem>>
    %dma_wait3A_93 = arith.constant 0 : i32
    %dma_wait3A_94 = arith.constant 0 : i32
    %dma_wait3A_95 = tpu.memref_slice %arg18[%dma_wait3A_93, %dma_wait3A_94] : memref<10000x128xf32, #tpu.memory_space<vmem_shared>> -> memref<10000x128xf32, #tpu.memory_space<vmem_shared>>
    tpu.wait_indirect_dma semaphore(%arg22 : memref<!tpu.dma_semaphore, #tpu.memory_space<semaphore_mem>>) src(%dma_wait3A_92 : memref<184x128xf32, #tpu.memory_space<vmem>>) dst(%dma_wait3A_95 : memref<10000x128xf32, #tpu.memory_space<vmem_shared>>)
    %dma_start3A_96 = arith.constant 0 : i32
    %dma_start3A_97 = arith.constant 0 : i32
    %dma_start3A_98 = tpu.memref_slice %arg16[%dma_start3A_96, %dma_start3A_97] : memref<184x128xf32, #tpu.memory_space<vmem>> -> memref<184x128xf32, #tpu.memory_space<vmem>>
    %dma_start3A_99 = arith.constant 368 : i32
    %dma_start3A_100 = tpu.memref_slice %arg15[%dma_start3A_99] : memref<1000xi32, #tpu.memory_space<vmem>> -> memref<184xi32, #tpu.memory_space<vmem>>
    %dma_start3A_101 = arith.constant 0 : i32
    %dma_start3A_102 = arith.constant 0 : i32
    %dma_start3A_103 = tpu.memref_slice %arg2[%dma_start3A_101, %dma_start3A_102] : memref<10000x128xf32, #tpu.memory_space<hbm>> -> memref<10000x128xf32, #tpu.memory_space<hbm>>
    tpu.enqueue_indirect_dma source(%dma_start3A_103 : memref<10000x128xf32, #tpu.memory_space<hbm>>) target(%dma_start3A_98 : memref<184x128xf32, #tpu.memory_space<vmem>>) offsets(%dma_start3A_100 : memref<184xi32, #tpu.memory_space<vmem>>) semaphore(%arg20 : memref<!tpu.dma_semaphore, #tpu.memory_space<semaphore_mem>>)
    %dma_wait3A_104 = arith.constant 0 : i32
    %dma_wait3A_105 = arith.constant 0 : i32
    %dma_wait3A_106 = tpu.memref_slice %arg17[%dma_wait3A_104, %dma_wait3A_105] : memref<184x128xf32, #tpu.memory_space<vmem>> -> memref<184x128xf32, #tpu.memory_space<vmem>>
    %dma_wait3A_107 = arith.constant 184 : i32
    %dma_wait3A_108 = tpu.memref_slice %arg15[%dma_wait3A_107] : memref<1000xi32, #tpu.memory_space<vmem>> -> memref<184xi32, #tpu.memory_space<vmem>>
    %dma_wait3A_109 = arith.constant 0 : i32
    %dma_wait3A_110 = arith.constant 0 : i32
    %dma_wait3A_111 = tpu.memref_slice %arg2[%dma_wait3A_109, %dma_wait3A_110] : memref<10000x128xf32, #tpu.memory_space<hbm>> -> memref<10000x128xf32, #tpu.memory_space<hbm>>
    tpu.wait_indirect_dma semaphore(%arg21 : memref<!tpu.dma_semaphore, #tpu.memory_space<semaphore_mem>>) src(%dma_wait3A_111 : memref<10000x128xf32, #tpu.memory_space<hbm>>) dst(%dma_wait3A_106 : memref<184x128xf32, #tpu.memory_space<vmem>>)
    %dma_start3A_112 = arith.constant 0 : i32
    %dma_start3A_113 = arith.constant 0 : i32
    %dma_start3A_114 = tpu.memref_slice %arg17[%dma_start3A_112, %dma_start3A_113] : memref<184x128xf32, #tpu.memory_space<vmem>> -> memref<184x128xf32, #tpu.memory_space<vmem>>
    %dma_start3A_115 = arith.constant 0 : i32
    %dma_start3A_116 = arith.constant 0 : i32
    %dma_start3A_117 = tpu.memref_slice %arg18[%dma_start3A_115, %dma_start3A_116] : memref<10000x128xf32, #tpu.memory_space<vmem_shared>> -> memref<10000x128xf32, #tpu.memory_space<vmem_shared>>
    tpu.enqueue_indirect_dma source(%dma_start3A_114 : memref<184x128xf32, #tpu.memory_space<vmem>>) target(%dma_start3A_117 : memref<10000x128xf32, #tpu.memory_space<vmem_shared>>) offsets(%arg10 : memref<184xi32, #tpu.memory_space<vmem>>) semaphore(%arg23 : memref<!tpu.dma_semaphore, #tpu.memory_space<semaphore_mem>>) {add = true}
    %dma_wait3A_118 = arith.constant 0 : i32
    %dma_wait3A_119 = arith.constant 0 : i32
    %dma_wait3A_120 = tpu.memref_slice %arg17[%dma_wait3A_118, %dma_wait3A_119] : memref<184x128xf32, #tpu.memory_space<vmem>> -> memref<184x128xf32, #tpu.memory_space<vmem>>
    %dma_wait3A_121 = arith.constant 0 : i32
    %dma_wait3A_122 = arith.constant 0 : i32
    %dma_wait3A_123 = tpu.memref_slice %arg18[%dma_wait3A_121, %dma_wait3A_122] : memref<10000x128xf32, #tpu.memory_space<vmem_shared>> -> memref<10000x128xf32, #tpu.memory_space<vmem_shared>>
    tpu.wait_indirect_dma semaphore(%arg23 : memref<!tpu.dma_semaphore, #tpu.memory_space<semaphore_mem>>) src(%dma_wait3A_120 : memref<184x128xf32, #tpu.memory_space<vmem>>) dst(%dma_wait3A_123 : memref<10000x128xf32, #tpu.memory_space<vmem_shared>>)
    %dma_start3A_124 = arith.constant 0 : i32
    %dma_start3A_125 = arith.constant 0 : i32
    %dma_start3A_126 = tpu.memref_slice %arg17[%dma_start3A_124, %dma_start3A_125] : memref<184x128xf32, #tpu.memory_space<vmem>> -> memref<184x128xf32, #tpu.memory_space<vmem>>
    %dma_start3A_127 = arith.constant 552 : i32
    %dma_start3A_128 = tpu.memref_slice %arg15[%dma_start3A_127] : memref<1000xi32, #tpu.memory_space<vmem>> -> memref<184xi32, #tpu.memory_space<vmem>>
    %dma_start3A_129 = arith.constant 0 : i32
    %dma_start3A_130 = arith.constant 0 : i32
    %dma_start3A_131 = tpu.memref_slice %arg2[%dma_start3A_129, %dma_start3A_130] : memref<10000x128xf32, #tpu.memory_space<hbm>> -> memref<10000x128xf32, #tpu.memory_space<hbm>>
    tpu.enqueue_indirect_dma source(%dma_start3A_131 : memref<10000x128xf32, #tpu.memory_space<hbm>>) target(%dma_start3A_126 : memref<184x128xf32, #tpu.memory_space<vmem>>) offsets(%dma_start3A_128 : memref<184xi32, #tpu.memory_space<vmem>>) semaphore(%arg21 : memref<!tpu.dma_semaphore, #tpu.memory_space<semaphore_mem>>)
    %dma_wait3A_132 = arith.constant 0 : i32
    %dma_wait3A_133 = arith.constant 0 : i32
    %dma_wait3A_134 = tpu.memref_slice %arg16[%dma_wait3A_132, %dma_wait3A_133] : memref<184x128xf32, #tpu.memory_space<vmem>> -> memref<184x128xf32, #tpu.memory_space<vmem>>
    %dma_wait3A_135 = arith.constant 368 : i32
    %dma_wait3A_136 = tpu.memref_slice %arg15[%dma_wait3A_135] : memref<1000xi32, #tpu.memory_space<vmem>> -> memref<184xi32, #tpu.memory_space<vmem>>
    %dma_wait3A_137 = arith.constant 0 : i32
    %dma_wait3A_138 = arith.constant 0 : i32
    %dma_wait3A_139 = tpu.memref_slice %arg2[%dma_wait3A_137, %dma_wait3A_138] : memref<10000x128xf32, #tpu.memory_space<hbm>> -> memref<10000x128xf32, #tpu.memory_space<hbm>>
    tpu.wait_indirect_dma semaphore(%arg20 : memref<!tpu.dma_semaphore, #tpu.memory_space<semaphore_mem>>) src(%dma_wait3A_139 : memref<10000x128xf32, #tpu.memory_space<hbm>>) dst(%dma_wait3A_134 : memref<184x128xf32, #tpu.memory_space<vmem>>)
    %dma_start3A_140 = arith.constant 0 : i32
    %dma_start3A_141 = arith.constant 0 : i32
    %dma_start3A_142 = tpu.memref_slice %arg16[%dma_start3A_140, %dma_start3A_141] : memref<184x128xf32, #tpu.memory_space<vmem>> -> memref<184x128xf32, #tpu.memory_space<vmem>>
    %dma_start3A_143 = arith.constant 0 : i32
    %dma_start3A_144 = arith.constant 0 : i32
    %dma_start3A_145 = tpu.memref_slice %arg18[%dma_start3A_143, %dma_start3A_144] : memref<10000x128xf32, #tpu.memory_space<vmem_shared>> -> memref<10000x128xf32, #tpu.memory_space<vmem_shared>>
    tpu.enqueue_indirect_dma source(%dma_start3A_142 : memref<184x128xf32, #tpu.memory_space<vmem>>) target(%dma_start3A_145 : memref<10000x128xf32, #tpu.memory_space<vmem_shared>>) offsets(%arg11 : memref<184xi32, #tpu.memory_space<vmem>>) semaphore(%arg22 : memref<!tpu.dma_semaphore, #tpu.memory_space<semaphore_mem>>) {add = true}
    %dma_wait3A_146 = arith.constant 0 : i32
    %dma_wait3A_147 = arith.constant 0 : i32
    %dma_wait3A_148 = tpu.memref_slice %arg16[%dma_wait3A_146, %dma_wait3A_147] : memref<184x128xf32, #tpu.memory_space<vmem>> -> memref<184x128xf32, #tpu.memory_space<vmem>>
    %dma_wait3A_149 = arith.constant 0 : i32
    %dma_wait3A_150 = arith.constant 0 : i32
    %dma_wait3A_151 = tpu.memref_slice %arg18[%dma_wait3A_149, %dma_wait3A_150] : memref<10000x128xf32, #tpu.memory_space<vmem_shared>> -> memref<10000x128xf32, #tpu.memory_space<vmem_shared>>
    tpu.wait_indirect_dma semaphore(%arg22 : memref<!tpu.dma_semaphore, #tpu.memory_space<semaphore_mem>>) src(%dma_wait3A_148 : memref<184x128xf32, #tpu.memory_space<vmem>>) dst(%dma_wait3A_151 : memref<10000x128xf32, #tpu.memory_space<vmem_shared>>)
    %dma_start3A_152 = arith.constant 0 : i32
    %dma_start3A_153 = arith.constant 0 : i32
    %dma_start3A_154 = tpu.memref_slice %arg16[%dma_start3A_152, %dma_start3A_153] : memref<184x128xf32, #tpu.memory_space<vmem>> -> memref<184x128xf32, #tpu.memory_space<vmem>>
    %dma_start3A_155 = arith.constant 736 : i32
    %dma_start3A_156 = tpu.memref_slice %arg15[%dma_start3A_155] : memref<1000xi32, #tpu.memory_space<vmem>> -> memref<184xi32, #tpu.memory_space<vmem>>
    %dma_start3A_157 = arith.constant 0 : i32
    %dma_start3A_158 = arith.constant 0 : i32
    %dma_start3A_159 = tpu.memref_slice %arg2[%dma_start3A_157, %dma_start3A_158] : memref<10000x128xf32, #tpu.memory_space<hbm>> -> memref<10000x128xf32, #tpu.memory_space<hbm>>
    tpu.enqueue_indirect_dma source(%dma_start3A_159 : memref<10000x128xf32, #tpu.memory_space<hbm>>) target(%dma_start3A_154 : memref<184x128xf32, #tpu.memory_space<vmem>>) offsets(%dma_start3A_156 : memref<184xi32, #tpu.memory_space<vmem>>) semaphore(%arg20 : memref<!tpu.dma_semaphore, #tpu.memory_space<semaphore_mem>>)
    %dma_wait3A_160 = arith.constant 0 : i32
    %dma_wait3A_161 = arith.constant 0 : i32
    %dma_wait3A_162 = tpu.memref_slice %arg17[%dma_wait3A_160, %dma_wait3A_161] : memref<184x128xf32, #tpu.memory_space<vmem>> -> memref<184x128xf32, #tpu.memory_space<vmem>>
    %dma_wait3A_163 = arith.constant 552 : i32
    %dma_wait3A_164 = tpu.memref_slice %arg15[%dma_wait3A_163] : memref<1000xi32, #tpu.memory_space<vmem>> -> memref<184xi32, #tpu.memory_space<vmem>>
    %dma_wait3A_165 = arith.constant 0 : i32
    %dma_wait3A_166 = arith.constant 0 : i32
    %dma_wait3A_167 = tpu.memref_slice %arg2[%dma_wait3A_165, %dma_wait3A_166] : memref<10000x128xf32, #tpu.memory_space<hbm>> -> memref<10000x128xf32, #tpu.memory_space<hbm>>
    tpu.wait_indirect_dma semaphore(%arg21 : memref<!tpu.dma_semaphore, #tpu.memory_space<semaphore_mem>>) src(%dma_wait3A_167 : memref<10000x128xf32, #tpu.memory_space<hbm>>) dst(%dma_wait3A_162 : memref<184x128xf32, #tpu.memory_space<vmem>>)
    %dma_start3A_168 = arith.constant 0 : i32
    %dma_start3A_169 = arith.constant 0 : i32
    %dma_start3A_170 = tpu.memref_slice %arg17[%dma_start3A_168, %dma_start3A_169] : memref<184x128xf32, #tpu.memory_space<vmem>> -> memref<184x128xf32, #tpu.memory_space<vmem>>
    %dma_start3A_171 = arith.constant 0 : i32
    %dma_start3A_172 = arith.constant 0 : i32
    %dma_start3A_173 = tpu.memref_slice %arg18[%dma_start3A_171, %dma_start3A_172] : memref<10000x128xf32, #tpu.memory_space<vmem_shared>> -> memref<10000x128xf32, #tpu.memory_space<vmem_shared>>
    tpu.enqueue_indirect_dma source(%dma_start3A_170 : memref<184x128xf32, #tpu.memory_space<vmem>>) target(%dma_start3A_173 : memref<10000x128xf32, #tpu.memory_space<vmem_shared>>) offsets(%arg12 : memref<184xi32, #tpu.memory_space<vmem>>) semaphore(%arg23 : memref<!tpu.dma_semaphore, #tpu.memory_space<semaphore_mem>>) {add = true}
    %dma_wait3A_174 = arith.constant 0 : i32
    %dma_wait3A_175 = arith.constant 0 : i32
    %dma_wait3A_176 = tpu.memref_slice %arg17[%dma_wait3A_174, %dma_wait3A_175] : memref<184x128xf32, #tpu.memory_space<vmem>> -> memref<184x128xf32, #tpu.memory_space<vmem>>
    %dma_wait3A_177 = arith.constant 0 : i32
    %dma_wait3A_178 = arith.constant 0 : i32
    %dma_wait3A_179 = tpu.memref_slice %arg18[%dma_wait3A_177, %dma_wait3A_178] : memref<10000x128xf32, #tpu.memory_space<vmem_shared>> -> memref<10000x128xf32, #tpu.memory_space<vmem_shared>>
    tpu.wait_indirect_dma semaphore(%arg23 : memref<!tpu.dma_semaphore, #tpu.memory_space<semaphore_mem>>) src(%dma_wait3A_176 : memref<184x128xf32, #tpu.memory_space<vmem>>) dst(%dma_wait3A_179 : memref<10000x128xf32, #tpu.memory_space<vmem_shared>>)
    %dma_start3A_180 = arith.constant 0 : i32
    %dma_start3A_181 = arith.constant 0 : i32
    %dma_start3A_182 = tpu.memref_slice %arg17[%dma_start3A_180, %dma_start3A_181] : memref<184x128xf32, #tpu.memory_space<vmem>> -> memref<80x128xf32, #tpu.memory_space<vmem>>
    %dma_start3A_183 = arith.constant 920 : i32
    %dma_start3A_184 = tpu.memref_slice %arg15[%dma_start3A_183] : memref<1000xi32, #tpu.memory_space<vmem>> -> memref<80xi32, #tpu.memory_space<vmem>>
    %dma_start3A_185 = arith.constant 0 : i32
    %dma_start3A_186 = arith.constant 0 : i32
    %dma_start3A_187 = tpu.memref_slice %arg2[%dma_start3A_185, %dma_start3A_186] : memref<10000x128xf32, #tpu.memory_space<hbm>> -> memref<10000x128xf32, #tpu.memory_space<hbm>>
    tpu.enqueue_indirect_dma source(%dma_start3A_187 : memref<10000x128xf32, #tpu.memory_space<hbm>>) target(%dma_start3A_182 : memref<80x128xf32, #tpu.memory_space<vmem>>) offsets(%dma_start3A_184 : memref<80xi32, #tpu.memory_space<vmem>>) semaphore(%arg21 : memref<!tpu.dma_semaphore, #tpu.memory_space<semaphore_mem>>)
    %dma_wait3A_188 = arith.constant 0 : i32
    %dma_wait3A_189 = arith.constant 0 : i32
    %dma_wait3A_190 = tpu.memref_slice %arg16[%dma_wait3A_188, %dma_wait3A_189] : memref<184x128xf32, #tpu.memory_space<vmem>> -> memref<184x128xf32, #tpu.memory_space<vmem>>
    %dma_wait3A_191 = arith.constant 736 : i32
    %dma_wait3A_192 = tpu.memref_slice %arg15[%dma_wait3A_191] : memref<1000xi32, #tpu.memory_space<vmem>> -> memref<184xi32, #tpu.memory_space<vmem>>
    %dma_wait3A_193 = arith.constant 0 : i32
    %dma_wait3A_194 = arith.constant 0 : i32
    %dma_wait3A_195 = tpu.memref_slice %arg2[%dma_wait3A_193, %dma_wait3A_194] : memref<10000x128xf32, #tpu.memory_space<hbm>> -> memref<10000x128xf32, #tpu.memory_space<hbm>>
    tpu.wait_indirect_dma semaphore(%arg20 : memref<!tpu.dma_semaphore, #tpu.memory_space<semaphore_mem>>) src(%dma_wait3A_195 : memref<10000x128xf32, #tpu.memory_space<hbm>>) dst(%dma_wait3A_190 : memref<184x128xf32, #tpu.memory_space<vmem>>)
    %dma_start3A_196 = arith.constant 0 : i32
    %dma_start3A_197 = arith.constant 0 : i32
    %dma_start3A_198 = tpu.memref_slice %arg16[%dma_start3A_196, %dma_start3A_197] : memref<184x128xf32, #tpu.memory_space<vmem>> -> memref<184x128xf32, #tpu.memory_space<vmem>>
    %dma_start3A_199 = arith.constant 0 : i32
    %dma_start3A_200 = arith.constant 0 : i32
    %dma_start3A_201 = tpu.memref_slice %arg18[%dma_start3A_199, %dma_start3A_200] : memref<10000x128xf32, #tpu.memory_space<vmem_shared>> -> memref<10000x128xf32, #tpu.memory_space<vmem_shared>>
    tpu.enqueue_indirect_dma source(%dma_start3A_198 : memref<184x128xf32, #tpu.memory_space<vmem>>) target(%dma_start3A_201 : memref<10000x128xf32, #tpu.memory_space<vmem_shared>>) offsets(%arg13 : memref<184xi32, #tpu.memory_space<vmem>>) semaphore(%arg22 : memref<!tpu.dma_semaphore, #tpu.memory_space<semaphore_mem>>) {add = true}
    %dma_wait3A_202 = arith.constant 0 : i32
    %dma_wait3A_203 = arith.constant 0 : i32
    %dma_wait3A_204 = tpu.memref_slice %arg17[%dma_wait3A_202, %dma_wait3A_203] : memref<184x128xf32, #tpu.memory_space<vmem>> -> memref<80x128xf32, #tpu.memory_space<vmem>>
    %dma_wait3A_205 = arith.constant 920 : i32
    %dma_wait3A_206 = tpu.memref_slice %arg15[%dma_wait3A_205] : memref<1000xi32, #tpu.memory_space<vmem>> -> memref<80xi32, #tpu.memory_space<vmem>>
    %dma_wait3A_207 = arith.constant 0 : i32
    %dma_wait3A_208 = arith.constant 0 : i32
    %dma_wait3A_209 = tpu.memref_slice %arg2[%dma_wait3A_207, %dma_wait3A_208] : memref<10000x128xf32, #tpu.memory_space<hbm>> -> memref<10000x128xf32, #tpu.memory_space<hbm>>
    tpu.wait_indirect_dma semaphore(%arg21 : memref<!tpu.dma_semaphore, #tpu.memory_space<semaphore_mem>>) src(%dma_wait3A_209 : memref<10000x128xf32, #tpu.memory_space<hbm>>) dst(%dma_wait3A_204 : memref<80x128xf32, #tpu.memory_space<vmem>>)
    %dma_start3A_210 = arith.constant 0 : i32
    %dma_start3A_211 = arith.constant 0 : i32
    %dma_start3A_212 = tpu.memref_slice %arg17[%dma_start3A_210, %dma_start3A_211] : memref<184x128xf32, #tpu.memory_space<vmem>> -> memref<80x128xf32, #tpu.memory_space<vmem>>
    %dma_start3A_213 = arith.constant 0 : i32
    %dma_start3A_214 = arith.constant 0 : i32
    %dma_start3A_215 = tpu.memref_slice %arg18[%dma_start3A_213, %dma_start3A_214] : memref<10000x128xf32, #tpu.memory_space<vmem_shared>> -> memref<10000x128xf32, #tpu.memory_space<vmem_shared>>
    tpu.enqueue_indirect_dma source(%dma_start3A_212 : memref<80x128xf32, #tpu.memory_space<vmem>>) target(%dma_start3A_215 : memref<10000x128xf32, #tpu.memory_space<vmem_shared>>) offsets(%arg14 : memref<80xi32, #tpu.memory_space<vmem>>) semaphore(%arg23 : memref<!tpu.dma_semaphore, #tpu.memory_space<semaphore_mem>>) {add = true}
    %dma_wait3A_216 = arith.constant 0 : i32
    %dma_wait3A_217 = arith.constant 0 : i32
    %dma_wait3A_218 = tpu.memref_slice %arg16[%dma_wait3A_216, %dma_wait3A_217] : memref<184x128xf32, #tpu.memory_space<vmem>> -> memref<184x128xf32, #tpu.memory_space<vmem>>
    %dma_wait3A_219 = arith.constant 0 : i32
    %dma_wait3A_220 = arith.constant 0 : i32
    %dma_wait3A_221 = tpu.memref_slice %arg18[%dma_wait3A_219, %dma_wait3A_220] : memref<10000x128xf32, #tpu.memory_space<vmem_shared>> -> memref<10000x128xf32, #tpu.memory_space<vmem_shared>>
    tpu.wait_indirect_dma semaphore(%arg22 : memref<!tpu.dma_semaphore, #tpu.memory_space<semaphore_mem>>) src(%dma_wait3A_218 : memref<184x128xf32, #tpu.memory_space<vmem>>) dst(%dma_wait3A_221 : memref<10000x128xf32, #tpu.memory_space<vmem_shared>>)
    %dma_wait3A_222 = arith.constant 0 : i32
    %dma_wait3A_223 = arith.constant 0 : i32
    %dma_wait3A_224 = tpu.memref_slice %arg17[%dma_wait3A_222, %dma_wait3A_223] : memref<184x128xf32, #tpu.memory_space<vmem>> -> memref<80x128xf32, #tpu.memory_space<vmem>>
    %dma_wait3A_225 = arith.constant 0 : i32
    %dma_wait3A_226 = arith.constant 0 : i32
    %dma_wait3A_227 = tpu.memref_slice %arg18[%dma_wait3A_225, %dma_wait3A_226] : memref<10000x128xf32, #tpu.memory_space<vmem_shared>> -> memref<10000x128xf32, #tpu.memory_space<vmem_shared>>
    tpu.wait_indirect_dma semaphore(%arg23 : memref<!tpu.dma_semaphore, #tpu.memory_space<semaphore_mem>>) src(%dma_wait3A_224 : memref<80x128xf32, #tpu.memory_space<vmem>>) dst(%dma_wait3A_227 : memref<10000x128xf32, #tpu.memory_space<vmem_shared>>)
    %barrier3A_228 = arith.constant 0 : index
    tpu.barrier barrier_id(%barrier3A_228)
    "tpu.region"() ({
      %run_scoped3A = tpu.sem_alloc : memref<!tpu.dma_semaphore, #tpu.memory_space<semaphore_mem>>
      %dma_start3A_229 = arith.constant 0 : i32
      %dma_start3A_230 = tpu.memref_slice %arg7[%arg0, %min3A_3, %dma_start3A_229] : memref<2x10000x128xf32, #tpu.memory_space<hbm>> -> memref<1x640x128xf32, #tpu.memory_space<hbm>>
      %dma_start3A_231 = tpu.memref_squeeze %dma_start3A_230 : memref<1x640x128xf32, #tpu.memory_space<hbm>> -> memref<640x128xf32, #tpu.memory_space<hbm>>
      %dma_start3A_232 = arith.constant 0 : i32
      %dma_start3A_233 = tpu.memref_slice %arg18[%min3A_3, %dma_start3A_232] : memref<10000x128xf32, #tpu.memory_space<vmem_shared>> -> memref<640x128xf32, #tpu.memory_space<vmem_shared>>
      tpu.enqueue_dma source(%dma_start3A_233 : memref<640x128xf32, #tpu.memory_space<vmem_shared>>) target(%dma_start3A_231 : memref<640x128xf32, #tpu.memory_space<hbm>>) target_semaphore(%run_scoped3A : memref<!tpu.dma_semaphore, #tpu.memory_space<semaphore_mem>>)
      %dma_wait3A_234 = arith.constant 0 : i32
      %dma_wait3A_235 = tpu.memref_slice %arg7[%arg0, %min3A_3, %dma_wait3A_234] : memref<2x10000x128xf32, #tpu.memory_space<hbm>> -> memref<1x640x128xf32, #tpu.memory_space<hbm>>
      %dma_wait3A_236 = tpu.memref_squeeze %dma_wait3A_235 : memref<1x640x128xf32, #tpu.memory_space<hbm>> -> memref<640x128xf32, #tpu.memory_space<hbm>>
      %dma_wait3A_237 = arith.constant 0 : i32
      %dma_wait3A_238 = tpu.memref_slice %arg18[%min3A_3, %dma_wait3A_237] : memref<10000x128xf32, #tpu.memory_space<vmem_shared>> -> memref<640x128xf32, #tpu.memory_space<vmem_shared>>
      tpu.wait_dma2 semaphore(%run_scoped3A : memref<!tpu.dma_semaphore, #tpu.memory_space<semaphore_mem>>) src(%dma_wait3A_238 : memref<640x128xf32, #tpu.memory_space<vmem_shared>>) dst(%dma_wait3A_236 : memref<640x128xf32, #tpu.memory_space<hbm>>)
      tpu.yield
    }) : () -> ()
    return
  }
}

module attributes {stable_mosaic.version = 14 : i64} {
  func.func @_mlp_body(%arg0: i32, %arg1: memref<1000x256xf32, #tpu.memory_space<vmem>>, %arg2: memref<256x256xf32, #tpu.memory_space<vmem>>, %arg3: memref<256xf32, #tpu.memory_space<vmem>>, %arg4: memref<256x128xf32, #tpu.memory_space<vmem>>, %arg5: memref<128xf32, #tpu.memory_space<vmem>>, %arg6: memref<1000x128xf32, #tpu.memory_space<vmem>>, %arg7: memref<1000x1xf32, #tpu.memory_space<vmem>>) attributes {dimension_semantics = [#tpu.dimension_semantics<arbitrary>], iteration_bounds = array<i64: 10>, scalar_prefetch = 0 : i64, scratch_operands = 0 : i64, tpu.core_type = #tpu.core_type<tc>, window_params = [{transform_indices = @transform_0, window_bounds = array<i64: 1000, 256>}, {pipeline_mode = #tpu.pipeline_mode<synchronous>, transform_indices = @transform_1, window_bounds = array<i64: 256, 256>}, {pipeline_mode = #tpu.pipeline_mode<synchronous>, transform_indices = @transform_2, window_bounds = array<i64: 256>}, {pipeline_mode = #tpu.pipeline_mode<synchronous>, transform_indices = @transform_3, window_bounds = array<i64: 256, 128>}, {pipeline_mode = #tpu.pipeline_mode<synchronous>, transform_indices = @transform_4, window_bounds = array<i64: 128>}, {transform_indices = @transform_5, window_bounds = array<i64: 1000, 128>}, {transform_indices = @transform_6, window_bounds = array<i64: 1000, 1>}]} {
    %get3A = arith.constant 0 : index
    %get3A_0 = arith.constant 0 : index
    %get3A_1 = vector.load %arg1[%get3A, %get3A_0] : memref<1000x256xf32, #tpu.memory_space<vmem>>, vector<1000x256xf32>
    %get3A_2 = arith.constant 0 : index
    %get3A_3 = arith.constant 0 : index
    %get3A_4 = vector.load %arg2[%get3A_2, %get3A_3] : memref<256x256xf32, #tpu.memory_space<vmem>>, vector<256x256xf32>
    %dot_general3A = arith.constant dense<0.000000e+00> : vector<1000x256xf32>
    %dot_general3A_5 = tpu.matmul %get3A_1, %get3A_4, %dot_general3A {dimension_numbers = #tpu.dot_dimension_numbers<[1], [0], [0], [1], [0, 0, 1, 1], [], []>, transpose_lhs_hint = false} : vector<1000x256xf32>, vector<256x256xf32>, vector<1000x256xf32> -> vector<1000x256xf32>
    %get3A_6 = arith.constant 0 : index
    %get3A_7 = vector.load %arg3[%get3A_6] : memref<256xf32, #tpu.memory_space<vmem>>, vector<256xf32>
    %broadcast_in_dim3A = vector.shape_cast %get3A_7 : vector<256xf32> to vector<1x256xf32>
    %add3A = vector.broadcast %broadcast_in_dim3A : vector<1x256xf32> to vector<1000x256xf32>
    %add3A_8 = arith.addf %dot_general3A_5, %add3A : vector<1000x256xf32>
    %max3A = arith.constant 0.000000e+00 : f32
    %max3A_9 = vector.broadcast %max3A : f32 to vector<1000x256xf32>
    %max3A_10 = arith.maximumf %add3A_8, %max3A_9 : vector<1000x256xf32>
    %get3A_11 = arith.constant 0 : index
    %get3A_12 = arith.constant 0 : index
    %get3A_13 = vector.load %arg4[%get3A_11, %get3A_12] : memref<256x128xf32, #tpu.memory_space<vmem>>, vector<256x128xf32>
    %dot_general3A_14 = arith.constant dense<0.000000e+00> : vector<1000x128xf32>
    %dot_general3A_15 = tpu.matmul %max3A_10, %get3A_13, %dot_general3A_14 {dimension_numbers = #tpu.dot_dimension_numbers<[1], [0], [0], [1], [0, 0, 1, 1], [], []>, transpose_lhs_hint = false} : vector<1000x256xf32>, vector<256x128xf32>, vector<1000x128xf32> -> vector<1000x128xf32>
    %get3A_16 = arith.constant 0 : index
    %get3A_17 = vector.load %arg5[%get3A_16] : memref<128xf32, #tpu.memory_space<vmem>>, vector<128xf32>
    %broadcast_in_dim3A_18 = vector.shape_cast %get3A_17 : vector<128xf32> to vector<1x128xf32>
    %add3A_19 = vector.broadcast %broadcast_in_dim3A_18 : vector<1x128xf32> to vector<1000x128xf32>
    %add3A_20 = arith.addf %dot_general3A_15, %add3A_19 : vector<1000x128xf32>
    %reduce_max3A = arith.constant dense<0xFF800000> : vector<1000xf32>
    %reduce_max3A_21 = vector.multi_reduction <maximumf>, %add3A_20, %reduce_max3A [1] : vector<1000x128xf32> to vector<1000xf32>
    %broadcast_in_dim3A_22 = vector.shape_cast %reduce_max3A_21 : vector<1000xf32> to vector<1000x1xf32>
    %sub3A = vector.broadcast %broadcast_in_dim3A_22 : vector<1000x1xf32> to vector<1000x128xf32>
    %sub3A_23 = arith.subf %add3A_20, %sub3A : vector<1000x128xf32>
    %exp3A = math.exp %sub3A_23 : vector<1000x128xf32>
    %reduce_sum3A = arith.constant dense<0.000000e+00> : vector<1000xf32>
    %reduce_sum3A_24 = vector.multi_reduction <add>, %exp3A, %reduce_sum3A [1] : vector<1000x128xf32> to vector<1000xf32>
    %broadcast_in_dim3A_25 = vector.shape_cast %reduce_sum3A_24 : vector<1000xf32> to vector<1000x1xf32>
    %div3A = arith.constant 1.000000e+00 : f32
    %div3A_26 = vector.broadcast %div3A : f32 to vector<1000x1xf32>
    %div3A_27 = arith.divf %div3A_26, %broadcast_in_dim3A_25 : vector<1000x1xf32>
    %swap3A = arith.constant 0 : index
    %swap3A_28 = arith.constant 0 : index
    %swap3A_29 = vector.load %arg7[%swap3A, %swap3A_28] : memref<1000x1xf32, #tpu.memory_space<vmem>>, vector<1000x1xf32>
    tpu.vector_store %arg7[%swap3A, %swap3A_28], %div3A_27 {strides = array<i32>} : memref<1000x1xf32, #tpu.memory_space<vmem>>, vector<1000x1xf32>,
    %swap3A_30 = arith.constant 0 : index
    %swap3A_31 = arith.constant 0 : index
    %swap3A_32 = vector.load %arg6[%swap3A_30, %swap3A_31] : memref<1000x128xf32, #tpu.memory_space<vmem>>, vector<1000x128xf32>
    tpu.vector_store %arg6[%swap3A_30, %swap3A_31], %add3A_20 {strides = array<i32>} : memref<1000x128xf32, #tpu.memory_space<vmem>>, vector<1000x128xf32>,
    return
  }
  func.func @transform_0(%arg0: i32) -> (i32, i32) {
    %c0_i32 = arith.constant 0 : i32
    %c0_i32_0 = arith.constant 0 : i32
    return %arg0, %c0_i32 : i32, i32
  }
  func.func @transform_1(%arg0: i32) -> (i32, i32) {
    %c0_i32 = arith.constant 0 : i32
    %c0_i32_0 = arith.constant 0 : i32
    %c0_i32_1 = arith.constant 0 : i32
    return %c0_i32, %c0_i32_0 : i32, i32
  }
  func.func @transform_2(%arg0: i32) -> i32 {
    %c0_i32 = arith.constant 0 : i32
    %c0_i32_0 = arith.constant 0 : i32
    return %c0_i32 : i32
  }
  func.func @transform_3(%arg0: i32) -> (i32, i32) {
    %c0_i32 = arith.constant 0 : i32
    %c0_i32_0 = arith.constant 0 : i32
    %c0_i32_1 = arith.constant 0 : i32
    return %c0_i32, %c0_i32_0 : i32, i32
  }
  func.func @transform_4(%arg0: i32) -> i32 {
    %c0_i32 = arith.constant 0 : i32
    %c0_i32_0 = arith.constant 0 : i32
    return %c0_i32 : i32
  }
  func.func @transform_5(%arg0: i32) -> (i32, i32) {
    %c0_i32 = arith.constant 0 : i32
    %c0_i32_0 = arith.constant 0 : i32
    return %arg0, %c0_i32 : i32, i32
  }
  func.func @transform_6(%arg0: i32) -> (i32, i32) {
    %c0_i32 = arith.constant 0 : i32
    %c0_i32_0 = arith.constant 0 : i32
    return %arg0, %c0_i32 : i32, i32
  }
}

module attributes {stable_mosaic.version = 14 : i64} {
  func.func @_combine_body(%arg0: i32, %arg1: memref<2x1000x128xf32, #tpu.memory_space<vmem>>, %arg2: memref<1000x1xi32, #tpu.memory_space<vmem>>) attributes {dimension_semantics = [#tpu.dimension_semantics<arbitrary>], iteration_bounds = array<i64: 10>, scalar_prefetch = 0 : i64, scratch_operands = 0 : i64, tpu.core_type = #tpu.core_type<tc>, window_params = [{transform_indices = @transform_0, window_bounds = array<i64: 2, 1000, 128>}, {transform_indices = @transform_1, window_bounds = array<i64: 1000, 1>}]} {
    %get3A = arith.constant 0 : index
    %get3A_0 = arith.constant 0 : index
    %get3A_1 = arith.constant 0 : index
    %get3A_2 = vector.load %arg1[%get3A, %get3A_0, %get3A_1] : memref<2x1000x128xf32, #tpu.memory_space<vmem>>, vector<1x1000x128xf32>
    %get3A_3 = vector.shape_cast %get3A_2 : vector<1x1000x128xf32> to vector<1000x128xf32>
    %get3A_4 = arith.constant 1 : index
    %get3A_5 = arith.constant 0 : index
    %get3A_6 = arith.constant 0 : index
    %get3A_7 = vector.load %arg1[%get3A_4, %get3A_5, %get3A_6] : memref<2x1000x128xf32, #tpu.memory_space<vmem>>, vector<1x1000x128xf32>
    %get3A_8 = vector.shape_cast %get3A_7 : vector<1x1000x128xf32> to vector<1000x128xf32>
    %add3A = arith.addf %get3A_3, %get3A_8 : vector<1000x128xf32>
    %reduce_max3A = arith.constant dense<0xFF800000> : vector<1000xf32>
    %reduce_max3A_9 = vector.multi_reduction <maximumf>, %add3A, %reduce_max3A [1] : vector<1000x128xf32> to vector<1000xf32>
    %broadcast_in_dim3A = vector.shape_cast %reduce_max3A_9 : vector<1000xf32> to vector<1000x1xf32>
    %iota3A = tpu.iota {dimensions = array<i32: 1>} : vector<1000x128xi32>
    %eq3A = vector.broadcast %broadcast_in_dim3A : vector<1000x1xf32> to vector<1000x128xf32>
    %eq3A_10 = arith.cmpf oeq, %add3A, %eq3A : vector<1000x128xf32>
    %jit3A = arith.constant 128 : i32
    %broadcast_in_dim3A_11 = vector.broadcast %jit3A : i32 to vector<1000x128xi32>
    %select_n3A = arith.select %eq3A_10, %iota3A, %broadcast_in_dim3A_11 : vector<1000x128xi1>, vector<1000x128xi32>
    %reduce_min3A = arith.constant dense<2147483647> : vector<1000xi32>
    %reduce_min3A_12 = vector.multi_reduction <minsi>, %select_n3A, %reduce_min3A [1] : vector<1000x128xi32> to vector<1000xi32>
    %broadcast_in_dim3A_13 = vector.shape_cast %reduce_min3A_12 : vector<1000xi32> to vector<1000x1xi32>
    %swap3A = arith.constant 0 : index
    %swap3A_14 = arith.constant 0 : index
    %swap3A_15 = vector.load %arg2[%swap3A, %swap3A_14] : memref<1000x1xi32, #tpu.memory_space<vmem>>, vector<1000x1xi32>
    tpu.vector_store %arg2[%swap3A, %swap3A_14], %broadcast_in_dim3A_13 {strides = array<i32>} : memref<1000x1xi32, #tpu.memory_space<vmem>>, vector<1000x1xi32>,
    return
  }
  func.func @transform_0(%arg0: i32) -> (i32, i32, i32) {
    %c0_i32 = arith.constant 0 : i32
    %c0_i32_0 = arith.constant 0 : i32
    %c0_i32_1 = arith.constant 0 : i32
    return %c0_i32, %arg0, %c0_i32_0 : i32, i32, i32
  }
  func.func @transform_1(%arg0: i32) -> (i32, i32) {
    %c0_i32 = arith.constant 0 : i32
    %c0_i32_0 = arith.constant 0 : i32
    return %arg0, %c0_i32 : i32, i32
  }
}

</mosaic_0001>

<sc_bundles>
// kernel: kernel.5.cloned.1.call-start
scs
__scs_entry_jumppad:
0x0: {  	(pc) =	sbr.rel $0x88, $3  }
0x1: {  	(tag) =	ssettag $0x0;
	lr =	simm.s32 $0x1  }
0x2: {  	[smem:$0x3F9B] =	sst lr;
	_ =	strace $0xD0000000  }
0x3: {  	_ = 	snop  }
0x4: {  	_ = 	snop  }
0x5: {  	_ = 	snop  }
0x6: {  	_ = 	snop  }
0x7: {  	_ = 	snop  }
__scs_overlays_trampoline_lowered:
0x8: {  	[smem:$0x3FAA] =	sst s0  }
0x9: {  	[smem:$0x3FAB] =	sst s1  }
0xa: {  	[smem:$0x3FAC] =	sst s2  }
0xb: {  	[smem:$0x3FAD] =	sst s3  }
0xc: {  	[smem:$0x3FAE] =	sst s4  }
0xd: {  	[smem:$0x3FAF] =	sst s5  }
0xe: {  	[smem:$0x3FB0] =	sst s6  }
0xf: {  	[smem:$0x3FB1] =	sst s7  }
0x10: {  	[smem:$0x3FB2] =	sst s8  }
0x11: {  	[smem:$0x3FB3] =	sst s9;
	s0 =	simm.s32 @!p0 $0x0  }
0x12: {  	s1 =	sld [smem:$0x3F99];
	s0 =	simm.s32 @p0 $0x1  }
0x13: {  	[smem:$0x3FB4] =	sst s0;
	s0 =	simm.s32 @!p1 $0x0  }
0x14: {  	s2 =	sld [smem:$0x3F98];
	s0 =	simm.s32 @p1 $0x1  }
0x15: {  	[smem:$0x3FB5] =	sst s0;
	s0 =	simm.s32 @!p2 $0x0  }
0x16: {  	s3 =	sld [smem:$0x3FDB];
	s0 =	simm.s32 @p2 $0x1  }
0x17: {  	s4 =	simm.s32 $0x1BF5;
	[smem:$0x3FB7] =	sst s0  }
0x18: {  	s0 =	sld [smem:$0x3F9A];
	_ =	swait.ge [sflag:s4], $0x0  }
0x19: {  	s7 =	sld [smem:$0x3F9B]  }
0x1a: {  	s8 =	sadd.s32 $0xFFFFE003, lr  }
0x1b: {  	s9 =	sadd.s32 $0xFFFFFEF7, lr;
	s5 =	simm.s32 $0xFFFFFFFF;
	p2 =	slt.u32 s8, $0xFFFFF086  }
0x1c: {  	p1 =	slt.u32 s9, $0xF7A;
	s5 =	simm.s32 @!p2 $0x0  }
0x1d: {  	s5 =	simm.s32 @p1 $0x1;
	p0 =	seq.s32 s7, s2  }
0x1e: {  	s7 =	smul.u32 @!p0 $0xF7A, s2;
	p2 =	seq.s32 @!p0 s5, $0x0  }
0x1f: {  	s9 =	smul.u32 $0xF7A, s1;
	s8 =	simm.s32 @!p0 $0x1BF5;
	p2 =	por !p2, p0  }
0x20: {  	[sflag:s8] =	ssyncset.s32 @!p0 $0xFFFFF086;
	s6 =	sadd.s32 @!p0 s3, s7;
	s7 =	simm.s32 @!p0 $0x108  }
0x21: {  	s3 =	sadd.s32 s3, s9;
	s6 =	sadd.s32 @!p0 $0x88, s6;
	s7 =	simm.s32 @p2 $0x1082  }
0x22: {  	[simem:s7], [sflag:s8] =	dma.local @!p0 [hbm:s6], $0xF7A  }
0x23: {  	s9 =	sor.u32 $0xD0000000, s2;
	s6 =	simm.s32 $0x108;
	_ =	swait.ge @!p0 [sflag:s8], $0x0  }
0x24: {  	s3 =	sadd.s32 $0x88, s3;
	s6 =	simm.s32 @!p1 $0x1082;
	[sflag:s4] =	ssyncset.s32 $0xFFFFF086  }
0x25: {  	[simem:s6], [sflag:s4] =	dma.local [hbm:s3], $0xF7A  }
0x26: {  	[smem:$0x3F9B] =	sst s1;
	(tag) =	ssettag s2;
	_ =	strace s9  }
0x27: {  	s1 =	sld [smem:$0x3FAB]  }
0x28: {  	s2 =	sld [smem:$0x3FAC]  }
0x29: {  	s4 =	sld [smem:$0x3FAE]  }
0x2a: {  	p0 =	seq.s32 s5, $0x0;
	s5 =	sld [smem:$0x3FAF]  }
0x2b: {  	s6 =	sld [smem:$0x3FB0]  }
0x2c: {  	s7 =	sld [smem:$0x3FB1]  }
0x2d: {  	s3 =	simm.s32 $0x108;
	s8 =	sld [smem:$0x3FB2]  }
0x2e: {  	s3 =	simm.s32 @!p0 $0x1082;
	s9 =	sld [smem:$0x3FB3]  }
0x2f: {  	lr =	sadd.s32 s0, s3;
	s0 =	sld [smem:$0x3FAA]  }
0x30: {  	s3 =	sld [smem:$0x3FAD]  }
0x31: {  	[smem:$0x3FB6] =	sst s10  }
0x32: {  	s10 =	sld [smem:$0x3FB4];
	_ =	sdelay $0x3  }
0x33: {  	p0 =	seq.s32 s10, $0x1;
	s10 =	sld [smem:$0x3FB6];
	_ =	sdelay $0x3  }
0x34: {  	[smem:$0x3FB6] =	sst s10  }
0x35: {  	s10 =	sld [smem:$0x3FB5];
	_ =	sdelay $0x3  }
0x36: {  	p1 =	seq.s32 s10, $0x1;
	s10 =	sld [smem:$0x3FB6];
	_ =	sdelay $0x3  }
0x37: {  	[smem:$0x3FB6] =	sst s10  }
0x38: {  	s10 =	sld [smem:$0x3FB7]  }
0x39: {  	_ = 	snop;
	(pc) =	sbr.ind lr, $3  }
0x3a: {  	_ = 	snop  }
0x3b: {  	_ = 	snop  }
0x3c: {  	p2 =	seq.s32 s10, $0x1;
	s10 =	sld [smem:$0x3FB6]  }
0x3d: {  	_ =	shalt  }
0x3e: {  	_ =	shalt  }
0x3f: {  	_ =	shalt  }
0x40: {  	_ =	shalt  }
0x41: {  	_ =	shalt  }
0x42: {  	_ =	shalt  }
0x43: {  	_ =	shalt  }
0x44: {  	_ =	shalt  }
0x45: {  	_ =	shalt  }
0x46: {  	_ =	shalt  }
0x47: {  	_ =	shalt  }
0x48: {  	_ =	shalt  }
0x49: {  	_ =	shalt  }
0x4a: {  	_ =	shalt  }
0x4b: {  	_ =	shalt  }
0x4c: {  	_ =	shalt  }
0x4d: {  	_ =	shalt  }
0x4e: {  	_ =	shalt  }
0x4f: {  	_ =	shalt  }
0x50: {  	_ =	shalt  }
0x51: {  	_ =	shalt  }
0x52: {  	_ =	shalt  }
0x53: {  	_ =	shalt  }
0x54: {  	_ =	shalt  }
0x55: {  	_ =	shalt  }
0x56: {  	_ =	shalt  }
0x57: {  	_ =	shalt  }
0x58: {  	_ =	shalt  }
0x59: {  	_ =	shalt  }
0x5a: {  	_ =	shalt  }
0x5b: {  	_ =	shalt  }
0x5c: {  	_ =	shalt  }
0x5d: {  	_ =	shalt  }
0x5e: {  	_ =	shalt  }
0x5f: {  	_ =	shalt  }
0x60: {  	_ =	shalt  }
0x61: {  	_ =	shalt  }
0x62: {  	_ =	shalt  }
0x63: {  	_ =	shalt  }
0x64: {  	_ =	shalt  }
0x65: {  	_ =	shalt  }
0x66: {  	_ =	shalt  }
0x67: {  	_ =	shalt  }
0x68: {  	_ =	shalt  }
0x69: {  	_ =	shalt  }
0x6a: {  	_ =	shalt  }
0x6b: {  	_ =	shalt  }
0x6c: {  	_ =	shalt  }
0x6d: {  	_ =	shalt  }
0x6e: {  	_ =	shalt  }
0x6f: {  	_ =	shalt  }
0x70: {  	_ =	shalt  }
0x71: {  	_ =	shalt  }
0x72: {  	_ =	shalt  }
0x73: {  	_ =	shalt  }
0x74: {  	_ =	shalt  }
0x75: {  	_ =	shalt  }
0x76: {  	_ =	shalt  }
0x77: {  	_ =	shalt  }
0x78: {  	_ =	shalt  }
0x79: {  	_ =	shalt  }
0x7a: {  	_ =	shalt  }
0x7b: {  	_ =	shalt  }
0x7c: {  	_ =	shalt  }
0x7d: {  	_ =	shalt  }
0x7e: {  	_ =	shalt  }
0x7f: {  	_ =	shalt  }
0x80: {  	_ =	shalt  }
0x81: {  	_ =	shalt  }
0x82: {  	_ =	shalt  }
0x83: {  	_ =	shalt  }
0x84: {  	_ =	shalt  }
0x85: {  	_ =	shalt  }
0x86: {  	_ =	shalt  }
0x87: {  	_ =	shalt  }
.Lfunc_end0:
.L_simem_size_0:
called_computation_lowered:
.L_overlay_start_0:
0x88: {  	s2 =	sld [smem:$0x3FD9]  }
0x89: {  	s3 =	sld [smem:$0x3FFE];
	_ =	sdelay $0x1  }
0x8a: {  	s1 =	srdreg.scid  }
0x8b: {  	s0 =	sand.u32 $0x1, s1  }
0x8c: {  	s16 =	sshll.u32 s0, $0xA;
	s2 =	sadd.s32 s3, s2  }
0x8d: {  	s2 =	sadd.s32 s2, s16  }
0x8e: {  	[smem:$0x3FC2] =	sst s2  }
0x8f: {  	_ = 	snop  }
0x90: {  	(tm) =	ssettm $0x1  }
0x91: {  	s17 =	sld [smem:$0x3FFB];
	_ =	sdelay $0x3  }
0x92: {  	_ =	strace s17  }
0x93: {  	s2 =	sld [smem:$0x3FFC];
	_ =	sdelay $0x3  }
0x94: {  	_ =	strace s2  }
0x95: {  	s2 =	sld [smem:$0x3FFD];
	_ =	sdelay $0x3  }
0x96: {  	_ =	strace s2  }
0x97: {  	_ =	strace $0x8FFFFFFF  }
0x98: {  	s18 =	sld [smem:$0x3FDB];
	_ =	sdelay $0x1  }
0x99: {  	s19 =	simm.s32 $_scs_section_size  }
0x9a: {  	s4 =	simm.s32 $_size__tile_overlayer_lowered;
	s5 =	simm.s32 $_tile_overlayer_lowered  }
0x9b: {  	s22 =	simm.s32 $0x1BFF;
	s21 =	sshll.u32 s5, $0x1;
	s2 =	sadd.s32 s19, s18  }
0x9c: {  	s6 =	simm.s32 $0x0;
	s20 =	sshll.u32 s4, $0x1;
	s4 =	sadd.s32 s21, s2  }
0x9d: {  	[timem:s6], [sflag:s22] =	dma.local [hbm:s4], s20  }
0x9e: {  	_ =	swait.ge [sflag:s22], s20  }
0x9f: {  	s3 =	ssub.s32 $0x0, s20;
	[sflag:s22] =	ssyncset.done $0x0  }
0xa0: {  	[sflag:s22] =	ssyncadd.s32 s3;
	_ =	sdelay $0x1  }
0xa1: {  	s23 =	simm.s32 $0x1B8B  }
0xa2: {  	_ =	swait.ge [sflag:s23], $0x1  }
0xa3: {  	[sflag:s23] =	ssyncset.done $0x0  }
0xa4: {  	s25 =	simm.s32 $0x1B8E;
	s24 =	sld [smem:$0x3FFE];
	[sflag:s23] =	ssyncadd.s32 $0xFFFFFFFF  }
0xa5: {  	s26 =	simm.s32 $execute0_lowered;
	[smem:$0x3FD2] =	sst s25  }
0xa6: {  	s4 =	sshll.u32 s26, $0x1;
	_ =	strace $0x80000046;
	[dreg:$0x1] =	wrdreg $0xFFFFFFFF  }
0xa7: {  	s28 =	simm.s32 $_size_execute0_lowered;
	s2 =	sadd.s32 s2, s4;
	[dreg:$0x0] =	wrdreg $0x0  }
0xa8: {  	s4 =	sshll.u32 s28, $0x1;
	[dreg:$0x2] =	wrdreg s2  }
0xa9: {  	[dreg:$0x3] =	wrdreg s4  }
0xaa: {  	[dreg:$0x4] =	wrdreg $0xC0  }
0xab: {  	_ =	task [dreg:s6], $0x5FFFF  }
0xac: {  	[dreg:$0x1] =	wrdreg $0xFFFFFFFF  }
0xad: {  	[dreg:$0x0] =	wrdreg $0x60  }
0xae: {  	[dreg:$0x2] =	wrdreg s24  }
0xaf: {  	[dreg:$0x3] =	wrdreg $0xC5800  }
0xb0: {  	[dreg:$0x4] =	wrdreg $0x9  }
0xb1: {  	_ =	task.clear_ibuf [dreg:s6], $0x5FFFF;
	_ =	strace $0x90000046  }
0xb2: {  	s29 =	simm.s32 $0x9;
	_ =	strace $0x80000048  }
0xb3: {  	_ =	swait.ge [sflag:s29], $0x1  }
0xb4: {  	[sflag:s29] =	ssyncadd.s32 $0xFFFFFFFF  }
0xb5: {  	_ =	strace $0x90000048  }
0xb6: {  	_ =	sfence  }
0xb7: {  	s30 =	sld [smem:$0x0];
	_ =	sdelay $0x2  }
0xb8: {  	s31 =	sshll.u32 s1, $0xD;
	s1 =	sshrl.u32 s1, $0x2  }
0xb9: {  	s3 =	sand.u32 $0x4000, s31;
	s1 =	sadd.s32 s1, s30  }
0xba: {  	s0 =	sor.u32 s3, s0;
	s1 =	sshll.u32 s1, $0x11  }
0xbb: {  	s0 =	sor.u32 s1, s0  }
0xbc: {  	s0 =	sadd.s32 $0x8F2B, s0  }
0xbd: {  	[sflag:s0] =	ssyncadd.remote.s32 $0x1  }
0xbe: {  	_ =	sfence.sel $0xFFFF  }
0xbf: {  	[dreg:$0x0] =	wrdreg $0xFFFFFFFF;
	(pc) =	sbr.abs _section_cstart, $3  }
0xc0: {  	[dreg:$0x1] =	wrdreg $0xFFFFFFFF  }
0xc1: {  	_ =	task.clear_ibuf [dreg:s6], $0x2FFFF;
	_ =	strace $0x9FFFFFFF  }
0xc2: {  	(tm) =	ssettm $0x7FFFFFFF  }
0xc3: {  	_ =	shalt  }
tec
execute0_lowered:
.L_overlay_start_1:
0x0: {  	(tag) =	ssettag $0x1  }
0x1: {  	s1 =	srdreg.scid;
	s17 =	rddreg [dreg:$0x0]  }
0x2: {  	s0 =	stileid.u32;
	s2 =	rddreg [dreg:$0x1];
	s3 =	simm.s32 $0x0  }
0x3: {  	s18 =	simm.s32 $0x3E8;
	[smem:$0x7FF] =	sst s3;
	s6 =	sadd.s32 $0x1200, s17  }
0x4: {  	s14 =	sadd.s32 $0x32400, s17;
	_ =	strace $0x80000047;
	[dreg:$0x3] =	wrdreg s6  }
0x5: {  	s19 =	simm.s32 $0x170;
	s20 =	simm.s32 $0x228;
	[dreg:$0x4] =	wrdreg s14  }
0x6: {  	s24 =	simm.s32 $0x2E0;
	s26 =	simm.s32 $0x398;
	[dreg:$0x8] =	wrdreg s18  }
0x7: {  	s30 =	sand.u32 $0x1, s1;
	s13 =	sshll.u32 s0, $0x1;
	[dreg:$0x9] =	wrdreg s19  }
0x8: {  	s7 =	smul.u32 $0x13800, s0;
	s31 =	sshll.u32 s0, $0x6;
	[dreg:$0xa] =	wrdreg s20  }
0x9: {  	s21 =	smul.u32 $0x4E000, s0;
	s4 =	sor.u32 s30, s13;
	[dreg:$0xb] =	wrdreg s24  }
0xa: {  	s5 =	smul.u32 $0x138800, s30;
	s15 =	sor.u32 $0x1C01, s31;
	[dreg:$0xc] =	wrdreg s26  }
0xb: {  	s4 =	smul.u32 $0x7D, s4;
	[dreg:$0x5] =	wrdreg s15  }
0xc: {  	s22 =	rddreg [dreg:$0x4];
	s5 =	sadd.s32 s5, s7  }
0xd: {  	s23 =	sshrl.u32 s21, $0x2;
	s4 =	sadd.s32 s4, s17;
	s5 =	sshrl.u32 s5, $0x3  }
0xe: {  	s25 =	rddreg [dreg:$0x5];
	s5 =	sadd.s32 s5, s17;
	s4 =	sadd.s32 $0x200, s4  }
0xf: {  	[dreg:$0x6] =	wrdreg s4;
	s16 =	sadd.s32 $0x34C00, s5;
	s4 =	sadd.s32 s23, s2  }
0x10: {  	[dreg:$0x7] =	wrdreg s16;
	s4 =	sshrl.u32 s4, $0x3  }
0x11: {  	[spmem:s4], [sflag:s25] =	dma.local [hbm:s22], $0x2800  }
0x12: {  	s5 =	simm.s32 $0x6;
	s6 =	rddreg [dreg:$0x6]  }
0x13: {  	[tilespmem:s3], [sflag:$0x6] =	stream.linear.gather [hbm4b:s6+s3], $0x3E8, $0x38;
	[tilespmem:$0x1FE00] =	vst v63  }
0x14: {  	_ =	swait.ge [sflag:s5], $0x3E8  }
0x15: {  	s0 =	rddreg [dreg:$0x3];
	[sflag:s5] =	ssyncset.done $0x0  }
0x16: {  	s6 =	simm.s32 $0x980;
	s8 =	rddreg [dreg:$0x8];
	[sflag:s5] =	ssyncadd.s32 $0xFFFFFC18  }
0x17: {  	[tilespmem:s6], [sflag:$0x1] =	stream.indirect.gather [hbm4b:s0+s8], $0x1, s3, s8, $0xb8;
	[tilespmem:$0x1FE00] =	vst v63  }
0x18: {  	s9 =	simm.s32 $0x400;
	s7 =	sadd.s32 $0x6200, s17;
	s8 =	simm.s32 $0xB8  }
0x19: {  	[tilespmem:s9], [sflag:$0x1] =	stream.indirect.gather [hbm4b:s7+s8], $0x1, s3, s8, $0xb8;
	[tilespmem:$0x1FE00] =	vst v63  }
0x1a: {  	s10 =	simm.s32 $0x500  }
0x1b: {  	[tilespmem:s10], [sflag:$0x1] =	stream.indirect.gather [hbm4b:s7+s8], $0x1, s8, s8, $0xb8;
	[tilespmem:$0x1FE00] =	vst v63  }
0x1c: {  	s11 =	simm.s32 $0x600;
	s12 =	rddreg [dreg:$0x9]  }
0x1d: {  	[tilespmem:s11], [sflag:$0x1] =	stream.indirect.gather [hbm4b:s7+s8], $0x1, s12, s8, $0xb8;
	[tilespmem:$0x1FE00] =	vst v63  }
0x1e: {  	s13 =	rddreg [dreg:$0xa];
	s12 =	simm.s32 $0x700  }
0x1f: {  	[tilespmem:s12], [sflag:$0x1] =	stream.indirect.gather [hbm4b:s7+s8], $0x1, s13, s8, $0xb8;
	[tilespmem:$0x1FE00] =	vst v63  }
0x20: {  	s15 =	simm.s32 $0x900;
	s14 =	rddreg [dreg:$0xb];
	s13 =	simm.s32 $0x800  }
0x21: {  	[tilespmem:s13], [sflag:$0x1] =	stream.indirect.gather [hbm4b:s7+s8], $0x1, s14, s8, $0xb8;
	[tilespmem:$0x1FE00] =	vst v63  }
0x22: {  	s16 =	simm.s32 $0x1;
	s18 =	rddreg [dreg:$0xc];
	s14 =	simm.s32 $0x50  }
0x23: {  	[tilespmem:s15], [sflag:$0x1] =	stream.indirect.gather [hbm4b:s7+s14], $0x1, s18, s14, $0xb8;
	[tilespmem:$0x1FE00] =	vst v63  }
0x24: {  	_ =	swait.ge [sflag:s16], $0x3E8  }
0x25: {  	[sflag:s16] =	ssyncset.done $0x0  }
0x26: {  	[sflag:s16] =	ssyncadd.s32 $0xFFFFFC18  }
0x27: {  	_ =	swait.ge [sflag:s16], $0xB8  }
0x28: {  	[sflag:s16] =	ssyncset.done $0x0  }
0x29: {  	[sflag:s16] =	ssyncadd.s32 $0xFFFFFF48  }
0x2a: {  	_ =	swait.ge [sflag:s16], $0xB8  }
0x2b: {  	[sflag:s16] =	ssyncset.done $0x0  }
0x2c: {  	[sflag:s16] =	ssyncadd.s32 $0xFFFFFF48  }
0x2d: {  	_ =	swait.ge [sflag:s16], $0xB8  }
0x2e: {  	[sflag:s16] =	ssyncset.done $0x0  }
0x2f: {  	[sflag:s16] =	ssyncadd.s32 $0xFFFFFF48  }
0x30: {  	_ =	swait.ge [sflag:s16], $0xB8  }
0x31: {  	[sflag:s16] =	ssyncset.done $0x0  }
0x32: {  	[sflag:s16] =	ssyncadd.s32 $0xFFFFFF48  }
0x33: {  	_ =	swait.ge [sflag:s16], $0xB8  }
0x34: {  	[sflag:s16] =	ssyncset.done $0x0  }
0x35: {  	[sflag:s16] =	ssyncadd.s32 $0xFFFFFF48  }
0x36: {  	_ =	swait.ge [sflag:s16], $0x50  }
0x37: {  	[sflag:s16] =	ssyncset.done $0x0  }
0x38: {  	[sflag:s16] =	ssyncadd.s32 $0xFFFFFFB0  }
0x39: {  	_ =	swait.ge [sflag:s16], $0x2800  }
0x3a: {  	[sflag:s16] =	ssyncset.done $0x0  }
0x3b: {  	[sflag:s16] =	ssyncadd.s32 $0xFFFFD800  }
0x3c: {  	s17 =	sadd.s32 $0xB200, s17;
	s18 =	simm.s32 $0xD80;
	[bflag:$0x0] =	sbarrier.arrive $0xFFFF  }
0x3d: {  	[tilespmem:s18], [sflag:$0x2] =	stream.indirect.gather [hbm4b:s17+s8], $0x80, s6, s8, $0xb8;
	[tilespmem:$0x1FE00] =	vst v63  }
0x3e: {  	s1 =	simm.s32 $0xA38;
	s20 =	simm.s32 $0x6980;
	s21 =	simm.s32 $0x2  }
0x3f: {  	[tilespmem:s20], [sflag:$0x3] =	stream.indirect.gather [hbm4b:s17+s8], $0x80, s1, s8, $0xb8;
	[tilespmem:$0x1FE00] =	vst v63  }
0x40: {  	_ =	swait.ge [sflag:s21], $0x5C00  }
0x41: {  	[sflag:s21] =	ssyncset.done $0x0  }
0x42: {  	s22 =	simm.s32 $0x4;
	[sflag:s21] =	ssyncadd.s32 $0xFFFFA400  }
0x43: {  	[spmem:s2] =	stream.indirect.scatter.add.f32 [tilespmem:s18], [sflag:$0x4], $0x80, s9, s8, $0xb8;
	[tilespmem:$0x1FE00] =	vst v63  }
0x44: {  	_ =	swait.ge [sflag:s22], $0x5C00  }
0x45: {  	[sflag:s22] =	ssyncset.done $0x0  }
0x46: {  	s24 =	simm.s32 $0x3;
	s23 =	simm.s32 $0xAF0;
	[sflag:s22] =	ssyncadd.s32 $0xFFFFA400  }
0x47: {  	[tilespmem:s18], [sflag:$0x2] =	stream.indirect.gather [hbm4b:s17+s8], $0x80, s23, s8, $0xb8;
	[tilespmem:$0x1FE00] =	vst v63  }
0x48: {  	_ =	swait.ge [sflag:s24], $0x5C00  }
0x49: {  	[sflag:s24] =	ssyncset.done $0x0  }
0x4a: {  	s25 =	simm.s32 $0x5;
	[sflag:s24] =	ssyncadd.s32 $0xFFFFA400  }
0x4b: {  	[spmem:s2] =	stream.indirect.scatter.add.f32 [tilespmem:s20], [sflag:$0x5], $0x80, s10, s8, $0xb8;
	[tilespmem:$0x1FE00] =	vst v63  }
0x4c: {  	_ =	swait.ge [sflag:s25], $0x5C00  }
0x4d: {  	[sflag:s25] =	ssyncset.done $0x0  }
0x4e: {  	s26 =	simm.s32 $0xBA8;
	[sflag:s25] =	ssyncadd.s32 $0xFFFFA400  }
0x4f: {  	[tilespmem:s20], [sflag:$0x3] =	stream.indirect.gather [hbm4b:s17+s8], $0x80, s26, s8, $0xb8;
	[tilespmem:$0x1FE00] =	vst v63  }
0x50: {  	_ =	swait.ge [sflag:s21], $0x5C00  }
0x51: {  	[sflag:s21] =	ssyncset.done $0x0  }
0x52: {  	[sflag:s21] =	ssyncadd.s32 $0xFFFFA400  }
0x53: {  	[spmem:s2] =	stream.indirect.scatter.add.f32 [tilespmem:s18], [sflag:$0x4], $0x80, s11, s8, $0xb8;
	[tilespmem:$0x1FE00] =	vst v63  }
0x54: {  	_ =	swait.ge [sflag:s22], $0x5C00  }
0x55: {  	[sflag:s22] =	ssyncset.done $0x0  }
0x56: {  	s28 =	simm.s32 $0xC60;
	[sflag:s22] =	ssyncadd.s32 $0xFFFFA400  }
0x57: {  	[tilespmem:s18], [sflag:$0x2] =	stream.indirect.gather [hbm4b:s17+s8], $0x80, s28, s8, $0xb8;
	[tilespmem:$0x1FE00] =	vst v63  }
0x58: {  	_ =	swait.ge [sflag:s24], $0x5C00  }
0x59: {  	[sflag:s24] =	ssyncset.done $0x0  }
0x5a: {  	[sflag:s24] =	ssyncadd.s32 $0xFFFFA400  }
0x5b: {  	[spmem:s2] =	stream.indirect.scatter.add.f32 [tilespmem:s20], [sflag:$0x5], $0x80, s12, s8, $0xb8;
	[tilespmem:$0x1FE00] =	vst v63  }
0x5c: {  	_ =	swait.ge [sflag:s25], $0x5C00  }
0x5d: {  	[sflag:s25] =	ssyncset.done $0x0  }
0x5e: {  	s29 =	simm.s32 $0xD18;
	[sflag:s25] =	ssyncadd.s32 $0xFFFFA400  }
0x5f: {  	[tilespmem:s20], [sflag:$0x3] =	stream.indirect.gather [hbm4b:s17+s14], $0x80, s29, s14, $0xb8;
	[tilespmem:$0x1FE00] =	vst v63  }
0x60: {  	_ =	swait.ge [sflag:s21], $0x5C00  }
0x61: {  	[sflag:s21] =	ssyncset.done $0x0  }
0x62: {  	[sflag:s21] =	ssyncadd.s32 $0xFFFFA400  }
0x63: {  	[spmem:s2] =	stream.indirect.scatter.add.f32 [tilespmem:s18], [sflag:$0x4], $0x80, s13, s8, $0xb8;
	[tilespmem:$0x1FE00] =	vst v63  }
0x64: {  	_ =	swait.ge [sflag:s24], $0x2800  }
0x65: {  	[sflag:s24] =	ssyncset.done $0x0  }
0x66: {  	[sflag:s24] =	ssyncadd.s32 $0xFFFFD800  }
0x67: {  	[spmem:s2] =	stream.indirect.scatter.add.f32 [tilespmem:s20], [sflag:$0x5], $0x80, s15, s14, $0xb8;
	[tilespmem:$0x1FE00] =	vst v63  }
0x68: {  	s30 =	ssub.s32 $0x2, s30;
	_ =	swait.ge [sflag:s22], $0x5C00  }
0x69: {  	s19 =	sshrl.u32 s30, $0x1;
	[sflag:s22] =	ssyncset.done $0x0  }
0x6a: {  	s0 =	ssub.s32 s30, s19;
	[sflag:s22] =	ssyncadd.s32 $0xFFFFA400  }
0x6b: {  	s0 =	smax.u32 s0, $0x1;
	_ =	swait.ge [sflag:s25], $0x2800  }
0x6c: {  	p0 =	sne.s32 s0, $0x1;
	[sflag:s25] =	ssyncset.done $0x0  }
.Ltmp0:
0x6d: {  	[sflag:s25] =	ssyncadd.s32 $0xFFFFD800;
	(pc) =	sbr.rel @!p0 .LBB2_2-.Ltmp0, $4  }
0x6e: {  	[bflag:$0x0] =	sbarrier.arrive $0xFFFF  }
0x6f: {  	s30 =	sor.u32 $0x1C06, s31;
	s1 =	rddreg [dreg:$0x7]  }
0x70: {  	[hbm:s1], [sflag:s30] =	dma.local [spmem:s4], $0x2800  }
0x71: {  	s31 =	sadd.s32 $0xFFFFFFFF, s0;
	_ =	swait.ge [sflag:s5], $0x2800  }
.LBB2_1:
0x72: {  	s0 =	rddreg [dreg:$0x4];
	[sflag:s5] =	ssyncset.done $0x0  }
0x73: {  	s1 =	rddreg [dreg:$0x5];
	[sflag:s5] =	ssyncadd.s32 $0xFFFFD800  }
0x74: {  	[spmem:s4], [sflag:s1] =	dma.local [hbm:s0], $0x2800  }
0x75: {  	s0 =	rddreg [dreg:$0x6]  }
0x76: {  	[tilespmem:s3], [sflag:$0x6] =	stream.linear.gather [hbm4b:s0+s3], $0x3E8, $0x38;
	[tilespmem:$0x1FE00] =	vst v63  }
0x77: {  	_ =	swait.ge [sflag:s5], $0x3E8  }
0x78: {  	s1 =	rddreg [dreg:$0x3];
	[sflag:s5] =	ssyncset.done $0x0  }
0x79: {  	s19 =	rddreg [dreg:$0x8];
	[sflag:s5] =	ssyncadd.s32 $0xFFFFFC18  }
0x7a: {  	[tilespmem:s6], [sflag:$0x1] =	stream.indirect.gather [hbm4b:s1+s19], $0x1, s3, s19, $0xb8;
	[tilespmem:$0x1FE00] =	vst v63  }
0x7b: {  	_ = 	snop  }
0x7c: {  	[tilespmem:s9], [sflag:$0x1] =	stream.indirect.gather [hbm4b:s7+s8], $0x1, s3, s8, $0xb8;
	[tilespmem:$0x1FE00] =	vst v63  }
0x7d: {  	_ = 	snop  }
0x7e: {  	[tilespmem:s10], [sflag:$0x1] =	stream.indirect.gather [hbm4b:s7+s8], $0x1, s8, s8, $0xb8;
	[tilespmem:$0x1FE00] =	vst v63  }
0x7f: {  	s0 =	rddreg [dreg:$0x9]  }
0x80: {  	[tilespmem:s11], [sflag:$0x1] =	stream.indirect.gather [hbm4b:s7+s8], $0x1, s0, s8, $0xb8;
	[tilespmem:$0x1FE00] =	vst v63  }
0x81: {  	s1 =	rddreg [dreg:$0xa]  }
0x82: {  	[tilespmem:s12], [sflag:$0x1] =	stream.indirect.gather [hbm4b:s7+s8], $0x1, s1, s8, $0xb8;
	[tilespmem:$0x1FE00] =	vst v63  }
0x83: {  	s19 =	rddreg [dreg:$0xb]  }
0x84: {  	[tilespmem:s13], [sflag:$0x1] =	stream.indirect.gather [hbm4b:s7+s8], $0x1, s19, s8, $0xb8;
	[tilespmem:$0x1FE00] =	vst v63  }
0x85: {  	s0 =	rddreg [dreg:$0xc]  }
0x86: {  	[tilespmem:s15], [sflag:$0x1] =	stream.indirect.gather [hbm4b:s7+s14], $0x1, s0, s14, $0xb8;
	[tilespmem:$0x1FE00] =	vst v63  }
0x87: {  	_ =	swait.ge [sflag:s16], $0x3E8  }
0x88: {  	[sflag:s16] =	ssyncset.done $0x0  }
0x89: {  	[sflag:s16] =	ssyncadd.s32 $0xFFFFFC18  }
0x8a: {  	_ =	swait.ge [sflag:s16], $0xB8  }
0x8b: {  	[sflag:s16] =	ssyncset.done $0x0  }
0x8c: {  	[sflag:s16] =	ssyncadd.s32 $0xFFFFFF48  }
0x8d: {  	_ =	swait.ge [sflag:s16], $0xB8  }
0x8e: {  	[sflag:s16] =	ssyncset.done $0x0  }
0x8f: {  	[sflag:s16] =	ssyncadd.s32 $0xFFFFFF48  }
0x90: {  	_ =	swait.ge [sflag:s16], $0xB8  }
0x91: {  	[sflag:s16] =	ssyncset.done $0x0  }
0x92: {  	[sflag:s16] =	ssyncadd.s32 $0xFFFFFF48  }
0x93: {  	_ =	swait.ge [sflag:s16], $0xB8  }
0x94: {  	[sflag:s16] =	ssyncset.done $0x0  }
0x95: {  	[sflag:s16] =	ssyncadd.s32 $0xFFFFFF48  }
0x96: {  	_ =	swait.ge [sflag:s16], $0xB8  }
0x97: {  	[sflag:s16] =	ssyncset.done $0x0  }
0x98: {  	[sflag:s16] =	ssyncadd.s32 $0xFFFFFF48  }
0x99: {  	_ =	swait.ge [sflag:s16], $0x50  }
0x9a: {  	[sflag:s16] =	ssyncset.done $0x0  }
0x9b: {  	[sflag:s16] =	ssyncadd.s32 $0xFFFFFFB0  }
0x9c: {  	_ =	swait.ge [sflag:s16], $0x2800  }
0x9d: {  	[sflag:s16] =	ssyncset.done $0x0  }
0x9e: {  	[sflag:s16] =	ssyncadd.s32 $0xFFFFD800  }
0x9f: {  	[bflag:$0x0] =	sbarrier.arrive $0xFFFF  }
0xa0: {  	[tilespmem:s18], [sflag:$0x2] =	stream.indirect.gather [hbm4b:s17+s8], $0x80, s6, s8, $0xb8;
	[tilespmem:$0x1FE00] =	vst v63  }
0xa1: {  	s1 =	simm.s32 $0xA38  }
0xa2: {  	[tilespmem:s20], [sflag:$0x3] =	stream.indirect.gather [hbm4b:s17+s8], $0x80, s1, s8, $0xb8;
	[tilespmem:$0x1FE00] =	vst v63  }
0xa3: {  	_ =	swait.ge [sflag:s21], $0x5C00  }
0xa4: {  	[sflag:s21] =	ssyncset.done $0x0  }
0xa5: {  	[sflag:s21] =	ssyncadd.s32 $0xFFFFA400  }
0xa6: {  	[spmem:s2] =	stream.indirect.scatter.add.f32 [tilespmem:s18], [sflag:$0x4], $0x80, s9, s8, $0xb8;
	[tilespmem:$0x1FE00] =	vst v63  }
0xa7: {  	_ =	swait.ge [sflag:s22], $0x5C00  }
0xa8: {  	[sflag:s22] =	ssyncset.done $0x0  }
0xa9: {  	[sflag:s22] =	ssyncadd.s32 $0xFFFFA400  }
0xaa: {  	[tilespmem:s18], [sflag:$0x2] =	stream.indirect.gather [hbm4b:s17+s8], $0x80, s23, s8, $0xb8;
	[tilespmem:$0x1FE00] =	vst v63  }
0xab: {  	_ =	swait.ge [sflag:s24], $0x5C00  }
0xac: {  	[sflag:s24] =	ssyncset.done $0x0  }
0xad: {  	[sflag:s24] =	ssyncadd.s32 $0xFFFFA400  }
0xae: {  	[spmem:s2] =	stream.indirect.scatter.add.f32 [tilespmem:s20], [sflag:$0x5], $0x80, s10, s8, $0xb8;
	[tilespmem:$0x1FE00] =	vst v63  }
0xaf: {  	_ =	swait.ge [sflag:s25], $0x5C00  }
0xb0: {  	[sflag:s25] =	ssyncset.done $0x0  }
0xb1: {  	[sflag:s25] =	ssyncadd.s32 $0xFFFFA400  }
0xb2: {  	[tilespmem:s20], [sflag:$0x3] =	stream.indirect.gather [hbm4b:s17+s8], $0x80, s26, s8, $0xb8;
	[tilespmem:$0x1FE00] =	vst v63  }
0xb3: {  	_ =	swait.ge [sflag:s21], $0x5C00  }
0xb4: {  	[sflag:s21] =	ssyncset.done $0x0  }
0xb5: {  	[sflag:s21] =	ssyncadd.s32 $0xFFFFA400  }
0xb6: {  	[spmem:s2] =	stream.indirect.scatter.add.f32 [tilespmem:s18], [sflag:$0x4], $0x80, s11, s8, $0xb8;
	[tilespmem:$0x1FE00] =	vst v63  }
0xb7: {  	_ =	swait.ge [sflag:s22], $0x5C00  }
0xb8: {  	[sflag:s22] =	ssyncset.done $0x0  }
0xb9: {  	[sflag:s22] =	ssyncadd.s32 $0xFFFFA400  }
0xba: {  	[tilespmem:s18], [sflag:$0x2] =	stream.indirect.gather [hbm4b:s17+s8], $0x80, s28, s8, $0xb8;
	[tilespmem:$0x1FE00] =	vst v63  }
0xbb: {  	_ =	swait.ge [sflag:s24], $0x5C00  }
0xbc: {  	[sflag:s24] =	ssyncset.done $0x0  }
0xbd: {  	[sflag:s24] =	ssyncadd.s32 $0xFFFFA400  }
0xbe: {  	[spmem:s2] =	stream.indirect.scatter.add.f32 [tilespmem:s20], [sflag:$0x5], $0x80, s12, s8, $0xb8;
	[tilespmem:$0x1FE00] =	vst v63  }
0xbf: {  	_ =	swait.ge [sflag:s25], $0x5C00  }
0xc0: {  	[sflag:s25] =	ssyncset.done $0x0  }
0xc1: {  	[sflag:s25] =	ssyncadd.s32 $0xFFFFA400  }
0xc2: {  	[tilespmem:s20], [sflag:$0x3] =	stream.indirect.gather [hbm4b:s17+s14], $0x80, s29, s14, $0xb8;
	[tilespmem:$0x1FE00] =	vst v63  }
0xc3: {  	_ =	swait.ge [sflag:s21], $0x5C00  }
0xc4: {  	[sflag:s21] =	ssyncset.done $0x0  }
0xc5: {  	[sflag:s21] =	ssyncadd.s32 $0xFFFFA400  }
0xc6: {  	[spmem:s2] =	stream.indirect.scatter.add.f32 [tilespmem:s18], [sflag:$0x4], $0x80, s13, s8, $0xb8;
	[tilespmem:$0x1FE00] =	vst v63  }
0xc7: {  	_ =	swait.ge [sflag:s24], $0x2800  }
0xc8: {  	[sflag:s24] =	ssyncset.done $0x0  }
0xc9: {  	[sflag:s24] =	ssyncadd.s32 $0xFFFFD800  }
0xca: {  	[spmem:s2] =	stream.indirect.scatter.add.f32 [tilespmem:s20], [sflag:$0x5], $0x80, s15, s14, $0xb8;
	[tilespmem:$0x1FE00] =	vst v63  }
0xcb: {  	_ =	swait.ge [sflag:s22], $0x5C00  }
0xcc: {  	[sflag:s22] =	ssyncset.done $0x0  }
0xcd: {  	[sflag:s22] =	ssyncadd.s32 $0xFFFFA400  }
0xce: {  	_ =	swait.ge [sflag:s25], $0x2800  }
0xcf: {  	p0 =	sne.s32 s31, $0x1;
	[sflag:s25] =	ssyncset.done $0x0  }
.Ltmp1:
0xd0: {  	[sflag:s25] =	ssyncadd.s32 $0xFFFFD800;
	(pc) =	sbr.rel @p0 .LBB2_1-.Ltmp1, $4  }
0xd1: {  	[bflag:$0x0] =	sbarrier.arrive $0xFFFF  }
0xd2: {  	s19 =	rddreg [dreg:$0x7]  }
0xd3: {  	[hbm:s19], [sflag:s30] =	dma.local [spmem:s4], $0x2800  }
0xd4: {  	s31 =	sadd.s32 $0xFFFFFFFF, s31;
	_ =	swait.ge [sflag:s5], $0x2800  }
.LBB2_2:
0xd5: {  	[sflag:s5] =	ssyncset.done $0x0  }
0xd6: {  	[sflag:s5] =	ssyncadd.s32 $0xFFFFD800  }
0xd7: {  	_ =	sfence.sel $0x180000  }
0xd8: {  	[bflag:$0x0] =	sbarrier.arrive $0xFFFF  }
0xd9: {  	_ =	strace $0x90000047  }
0xda: {  	s0 =	stileid.u32;
	[bflag:$0x2] =	sbarrier.arrive $0xFFFF  }
0xdb: {  	p0 =	sne.s32 s0, $0x0;
	s0 =	rddreg [dreg:$0x2]  }
0xdc: {  	s0 =	sadd.s32 @!p0 $0x100000, s0  }
0xdd: {  	[sflag:s0] =	ssyncadd.tile.s32 @!p0 $0x1;
	_ =	shalt  }
.Lfunc_end2:
_tile_overlayer_lowered:
.L_overlay_start_2:
0xde: {  	(tag) =	ssettag $0x2  }
0xdf: {  	s0 =	rddreg [dreg:$0x0];
	s2 =	stileid.u32  }
0xe0: {  	s1 =	rddreg [dreg:$0x1];
	p0 =	sne.s32 s2, $0x0  }
0xe1: {  	s3 =	rddreg [dreg:$0x2];
	[bflag:$0x3] =	sbarrier.arrive $0xFFFF;
	s2 =	simm.s32 @!p0 $0x1C06  }
0xe2: {  	[timem:s3], [sflag:s2] =	dma.local @!p0 [hbm:s0], s1  }
0xe3: {  	s0 =	simm.s32 @!p0 $0x6  }
0xe4: {  	_ =	swait.ge @!p0 [sflag:s0], s1  }
0xe5: {  	s1 =	ssub.s32 @!p0 $0x0, s1;
	[sflag:s0] =	ssyncset.done @!p0 $0x0  }
0xe6: {  	[sflag:s0] =	ssyncadd.s32 @!p0 s1  }
0xe7: {  	[bflag:$0x3] =	sbarrier.arrive $0xFFFF  }
0xe8: {  	_ =	shalt  }

</sc_bundles>
